<compile_context>
chip_gen: v7x
topology: tpu7x:2x2x1
jax: 0.10.2.dev20260603
libtpu: 0.0.44.dev20260713+nightly
codegen_flags: <defaults>
</compile_context>

<pallas_src>
import functools

import jax
import jax.numpy as jnp
from jax import lax
from jax.experimental import pallas as pl
from jax.experimental.pallas import tpu as pltpu
from jax.experimental.pallas import tpu_sc as plsc



def _transform_body(S, K, M, fT_ref, il3_ref, g2T_ref, out_ref):
    SK = S * K
    hi = jax.lax.Precision.HIGHEST
    fT = fT_ref[...]
    fw_tiled = jnp.concatenate([fT] * S, axis=0)
    r1 = lax.broadcasted_iota(jnp.int32, (3 * S, SK), 0)
    c1 = lax.broadcasted_iota(jnp.int32, (3 * S, SK), 1)
    fw_T = jnp.where(r1 // 3 == c1 // K, fw_tiled, 0.0)
    il3 = il3_ref[0]
    il_tiled = jnp.concatenate([il3] * S, axis=0)
    r2 = lax.broadcasted_iota(jnp.int32, (3 * S, 3 * S), 0)
    c2 = lax.broadcasted_iota(jnp.int32, (3 * S, 3 * S), 1)
    il_wT = jnp.where(r2 // 3 == c2 // 3, il_tiled, 0.0)
    wgT = jnp.dot(g2T_ref[0], il_wT, precision=hi)
    out_ref[...] = jnp.dot(wgT, fw_T, precision=hi)


def _make_transform(B, K, M, S, interpret=False):
    grid = (B // S,)
    return pl.pallas_call(
        functools.partial(_transform_body, S, K, M),
        grid=grid,
        in_specs=[
            pl.BlockSpec((3, S * K), lambda b: (0, b)),
            pl.BlockSpec((1, 3, 3 * S), lambda b: (b, 0, 0)),
            pl.BlockSpec((1, 3 * M, 3 * S), lambda b: (b, 0, 0)),
        ],
        out_specs=pl.BlockSpec((3 * M, S * K), lambda b: (0, b)),
        out_shape=jax.ShapeDtypeStruct((3 * M, B * K), jnp.float32),
        interpret=interpret,
    )



def _make_scatter(NA, P):
    PPC = P // 2
    PPT = PPC // 16
    CHP = 8192
    NCH = PPT // CHP
    Z = NA // 16

    mesh = plsc.VectorSubcoreMesh(core_axis_name="c", subcore_axis_name="s")

    @functools.partial(
        pl.kernel,
        mesh=mesh,
        out_type=jax.ShapeDtypeStruct((6 * NA,), jnp.float32),
        scratch_types=[
            pltpu.VMEM((CHP,), jnp.int32),
            pltpu.VMEM((CHP,), jnp.float32),
            pltpu.VMEM((CHP,), jnp.float32),
            pltpu.VMEM((CHP,), jnp.float32),
            pltpu.VMEM_SHARED((NA,), jnp.float32),
            pltpu.VMEM_SHARED((NA,), jnp.float32),
            pltpu.VMEM_SHARED((NA,), jnp.float32),
        ],
    )
    def scatter(idx_hbm, v0_hbm, v1_hbm, v2_hbm, zeros_hbm, out_hbm,
                idxb, b0, b1, b2, acc0, acc1, acc2):
        cid = lax.axis_index("c")
        sid = lax.axis_index("s")
        accs = (acc0, acc1, acc2)
        for i in range(3):
            pltpu.sync_copy(zeros_hbm.at[pl.ds(sid * Z, Z)],
                            accs[i].at[pl.ds(sid * Z, Z)])
        plsc.subcore_barrier()

        base = cid * PPC + sid * PPT

        def chunk_body(c, carry):
            off = base + c * CHP
            pltpu.sync_copy(idx_hbm.at[pl.ds(off, CHP)], idxb)
            pltpu.sync_copy(v0_hbm.at[pl.ds(off, CHP)], b0)
            pltpu.sync_copy(v1_hbm.at[pl.ds(off, CHP)], b1)
            pltpu.sync_copy(v2_hbm.at[pl.ds(off, CHP)], b2)
            pltpu.sync_copy(b0, acc0.at[idxb], add=True)
            pltpu.sync_copy(b1, acc1.at[idxb], add=True)
            pltpu.sync_copy(b2, acc2.at[idxb], add=True)
            return carry

        lax.fori_loop(0, NCH, chunk_body, 0)
        plsc.subcore_barrier()
        for i in range(3):
            pltpu.sync_copy(accs[i].at[pl.ds(sid * Z, Z)],
                            out_hbm.at[pl.ds((cid * 3 + i) * NA + sid * Z, Z)])

    return scatter



def _make_finalize(NA, K):
    AT = NA // 32

    mesh = plsc.VectorSubcoreMesh(core_axis_name="c", subcore_axis_name="s")

    @functools.partial(
        pl.kernel,
        mesh=mesh,
        out_type=jax.ShapeDtypeStruct((3 * NA,), jnp.float32),
        scratch_types=[
            pltpu.VMEM((6 * AT,), jnp.float32),
            pltpu.VMEM((9 * AT,), jnp.float32),
            pltpu.VMEM((3 * AT,), jnp.float32),
        ],
    )
    def fin(p_hbm, latd_hbm, out_hbm, pb, lb, ob):
        cid = lax.axis_index("c")
        sid = lax.axis_index("s")
        wid = cid * 16 + sid
        a0 = wid * AT
        for q in range(6):
            pltpu.sync_copy(p_hbm.at[pl.ds(q * NA + a0, AT)],
                            pb.at[pl.ds(q * AT, AT)])
        for q in range(9):
            pltpu.sync_copy(latd_hbm.at[pl.ds(q * NA + a0, AT)],
                            lb.at[pl.ds(q * AT, AT)])

        def v_body(v, carry):
            base = v * 16
            a = [pb[pl.ds(j * AT + base, 16)]
                 + pb[pl.ds((3 + j) * AT + base, 16)] for j in range(3)]
            for i in range(3):
                ob[pl.ds(i * AT + base, 16)] = (
                    a[0] * lb[pl.ds((0 + i) * AT + base, 16)]
                    + a[1] * lb[pl.ds((3 + i) * AT + base, 16)]
                    + a[2] * lb[pl.ds((6 + i) * AT + base, 16)])
            return carry

        lax.fori_loop(0, AT // 16, v_body, 0)
        for i in range(3):
            pltpu.sync_copy(ob.at[pl.ds(i * AT, AT)],
                            out_hbm.at[pl.ds(i * NA + a0, AT)])

    return fin



def kernel(lattices, inv_lattices, forces, num_atoms, general_ops, symm_map,
           num_general_ops):
    B = lattices.shape[0]
    na = forces.shape[0]
    M = general_ops.shape[1]
    K = na // B
    S = 8

    g2T = jnp.transpose(general_ops[:, :, :3, :3],
                        (2, 1, 0, 3)).reshape(3 * M, B // S, 3 * S)
    g2T = jnp.transpose(g2T, (1, 0, 2))
    il3 = jnp.transpose(inv_lattices, (2, 0, 1)).reshape(3, B // S, 3 * S)
    il3 = jnp.transpose(il3, (1, 0, 2))
    fT = forces.T
    vT = _make_transform(B, K, M, S)(fT, il3, g2T)

    P = na * M
    idxf = symm_map.T.reshape(P)
    v0 = vT[0 * M:1 * M, :].reshape(P)
    v1 = vT[1 * M:2 * M, :].reshape(P)
    v2 = vT[2 * M:3 * M, :].reshape(P)
    zeros = jnp.zeros((na,), jnp.float32)
    p = _make_scatter(na, P)(idxf, v0, v1, v2, zeros)

    den = num_general_ops.astype(jnp.float32)
    latd = jnp.repeat(
        jnp.transpose(lattices / den[:, None, None], (1, 2, 0)).reshape(9, B),
        K, axis=1).reshape(9 * na)
    out1d = _make_finalize(na, K)(p, latd)
    return out1d.reshape(3, na).T

# --- scband reference (transcript-rebuilt; emitter-appended) ---
"""Pipeline reference for scband-symmetrize-rotavg-37752762532053 (READ-ONLY COPY).

The authoritative reference and input builder live on the scoring server;
editing this copy changes nothing except your own understanding.
"""

import jax, jax.numpy as jnp
import numpy as np

B = 1024   # number of crystal structures
K = 64     # atoms per structure (passed as num_atoms scalar)
M = 48     # symmetry ops per structure
NA = B * K # total atoms

def setup_inputs(seed: int = 0) -> dict:
    key = jax.random.key(seed)
    ks = jax.random.split(key, 5)
    lattices = jax.random.normal(ks[0], (B, 3, 3), dtype=jnp.float32)
    inv_lattices = jax.random.normal(ks[1], (B, 3, 3), dtype=jnp.float32)
    forces = jax.random.normal(ks[2], (NA, 3), dtype=jnp.float32)
    general_ops = jax.random.normal(ks[3], (B, M, 4, 4), dtype=jnp.float32)
    symm_map = jax.random.randint(ks[4], (NA, M), 0, NA, dtype=jnp.int32)
    num_general_ops = jnp.ones((B,), dtype=jnp.int32)
    return {
        'lattices': lattices,
        'inv_lattices': inv_lattices,
        'forces': forces,
        'num_atoms': K,
        'general_ops': general_ops,
        'symm_map': symm_map,
        'num_general_ops': num_general_ops,
    }

def reference(lattices, inv_lattices, forces, num_atoms, general_ops, symm_map, num_general_ops):
    na = forces.shape[0]
    # repeat_interleave(num_atoms, dim=0) with scalar repeats
    lat = jnp.repeat(lattices, num_atoms, axis=0, total_repeat_length=na)          # [na,3,3]
    inv_lat = jnp.repeat(inv_lattices, num_atoms, axis=0, total_repeat_length=na)  # [na,3,3]
    scaled_forces = jnp.einsum('nji,nj->ni', inv_lat, forces)  # [na,3]
    ops = jnp.repeat(general_ops[:, :, :3, :3], num_atoms, axis=0, total_repeat_length=na)  # [na,M,3,3]
    transformed = jnp.einsum('nmij,nj->nmi', ops, scaled_forces)    # [na,M,3]
    # scatter(transformed, symm_map, dim=1, dim_size=na).sum(dim=0)
    # == scatter-add of flattened (n,m) pairs into target atoms
    flat_idx = symm_map.reshape(-1)
    flat_src = transformed.reshape(-1, 3)
    scaled_sym = jnp.zeros((na, 3), dtype=transformed.dtype).at[flat_idx].add(flat_src)
    denom = jnp.repeat(num_general_ops, num_atoms, axis=0, total_repeat_length=na).astype(scaled_sym.dtype)[:, None]
    scaled_sym = scaled_sym / denom
    symmetrized = jnp.einsum('nji,nj->ni', lat, scaled_sym)  # [na,3]
    return symmetrized

if __name__ == "__main__":
    import jax
    _d = setup_inputs()
    print(jax.jit(kernel)(*tuple(_d.values())))

</pallas_src>

<mosaic_0001>
#map = affine_map<(d0, d1) -> (0)>
module attributes {stable_mosaic.version = 14 : i64} {
  func.func @fin(%arg0: i32, %arg1: i32, %arg2: memref<393216xf32, #tpu.memory_space<hbm>>, %arg3: memref<589824xf32, #tpu.memory_space<hbm>>, %arg4: memref<196608xf32, #tpu.memory_space<hbm>>, %arg5: memref<12288xf32, #tpu.memory_space<vmem>>, %arg6: memref<18432xf32, #tpu.memory_space<vmem>>, %arg7: memref<6144xf32, #tpu.memory_space<vmem>>) attributes {dimension_semantics = [#tpu.dimension_semantics<core_parallel>, #tpu.dimension_semantics<subcore_parallel>], iteration_bounds = array<i64: 2, 16>, scalar_prefetch = 0 : i64, scratch_operands = 3 : i64, tpu.core_type = #tpu.core_type<sc_vector_subcore>, window_params = [{transform_indices = #map}, {transform_indices = #map}, {transform_indices = #map}]} {
    %mul3A = arith.constant 16 : i32
    %mul3A_0 = arith.muli %arg0, %mul3A : i32
    %add3A = arith.addi %mul3A_0, %arg1 : i32
    %mul3A_1 = arith.constant 2048 : i32
    %mul3A_2 = arith.muli %add3A, %mul3A_1 : i32
    %add3A_3 = arith.constant 0 : i32
    %add3A_4 = arith.addi %add3A_3, %mul3A_2 : i32
    "tpu.region"() ({
      %run_scoped3A = tpu.sem_alloc : memref<!tpu.dma_semaphore, #tpu.memory_space<semaphore_mem>>
      %dma_start3A = arith.constant 0 : i32
      %dma_start3A_44 = tpu.memref_slice %arg5[%dma_start3A] : memref<12288xf32, #tpu.memory_space<vmem>> -> memref<2048xf32, #tpu.memory_space<vmem>>
      %dma_start3A_45 = tpu.memref_slice %arg2[%add3A_4] : memref<393216xf32, #tpu.memory_space<hbm>> -> memref<2048xf32, #tpu.memory_space<hbm>>
      %dma_start3A_46 = arith.constant 0 : i32
      %dma_start3A_47 = tpu.memref_slice %arg5[%dma_start3A_46] : memref<12288xf32, #tpu.memory_space<vmem>> -> memref<2048xf32, #tpu.memory_space<vmem>>
      %dma_start3A_48 = tpu.memref_slice %arg2[%add3A_4] : memref<393216xf32, #tpu.memory_space<hbm>> -> memref<2048xf32, #tpu.memory_space<hbm>>
      tpu.enqueue_dma source(%dma_start3A_48 : memref<2048xf32, #tpu.memory_space<hbm>>) target(%dma_start3A_47 : memref<2048xf32, #tpu.memory_space<vmem>>) target_semaphore(%run_scoped3A : memref<!tpu.dma_semaphore, #tpu.memory_space<semaphore_mem>>)
      %dma_wait3A = arith.constant 0 : i32
      %dma_wait3A_49 = tpu.memref_slice %arg5[%dma_wait3A] : memref<12288xf32, #tpu.memory_space<vmem>> -> memref<2048xf32, #tpu.memory_space<vmem>>
      %dma_wait3A_50 = tpu.memref_slice %arg2[%add3A_4] : memref<393216xf32, #tpu.memory_space<hbm>> -> memref<2048xf32, #tpu.memory_space<hbm>>
      %dma_wait3A_51 = arith.constant 0 : i32
      %dma_wait3A_52 = tpu.memref_slice %arg5[%dma_wait3A_51] : memref<12288xf32, #tpu.memory_space<vmem>> -> memref<2048xf32, #tpu.memory_space<vmem>>
      %dma_wait3A_53 = tpu.memref_slice %arg2[%add3A_4] : memref<393216xf32, #tpu.memory_space<hbm>> -> memref<2048xf32, #tpu.memory_space<hbm>>
      tpu.wait_dma2 semaphore(%run_scoped3A : memref<!tpu.dma_semaphore, #tpu.memory_space<semaphore_mem>>) src(%dma_wait3A_53 : memref<2048xf32, #tpu.memory_space<hbm>>) dst(%dma_wait3A_52 : memref<2048xf32, #tpu.memory_space<vmem>>)
      tpu.yield
    }) : () -> ()
    %add3A_5 = arith.constant 65536 : i32
    %add3A_6 = arith.addi %add3A_5, %mul3A_2 : i32
    "tpu.region"() ({
      %run_scoped3A = tpu.sem_alloc : memref<!tpu.dma_semaphore, #tpu.memory_space<semaphore_mem>>
      %dma_start3A = arith.constant 2048 : i32
      %dma_start3A_44 = tpu.memref_slice %arg5[%dma_start3A] : memref<12288xf32, #tpu.memory_space<vmem>> -> memref<2048xf32, #tpu.memory_space<vmem>>
      %dma_start3A_45 = tpu.memref_slice %arg2[%add3A_6] : memref<393216xf32, #tpu.memory_space<hbm>> -> memref<2048xf32, #tpu.memory_space<hbm>>
      %dma_start3A_46 = arith.constant 2048 : i32
      %dma_start3A_47 = tpu.memref_slice %arg5[%dma_start3A_46] : memref<12288xf32, #tpu.memory_space<vmem>> -> memref<2048xf32, #tpu.memory_space<vmem>>
      %dma_start3A_48 = tpu.memref_slice %arg2[%add3A_6] : memref<393216xf32, #tpu.memory_space<hbm>> -> memref<2048xf32, #tpu.memory_space<hbm>>
      tpu.enqueue_dma source(%dma_start3A_48 : memref<2048xf32, #tpu.memory_space<hbm>>) target(%dma_start3A_47 : memref<2048xf32, #tpu.memory_space<vmem>>) target_semaphore(%run_scoped3A : memref<!tpu.dma_semaphore, #tpu.memory_space<semaphore_mem>>)
      %dma_wait3A = arith.constant 2048 : i32
      %dma_wait3A_49 = tpu.memref_slice %arg5[%dma_wait3A] : memref<12288xf32, #tpu.memory_space<vmem>> -> memref<2048xf32, #tpu.memory_space<vmem>>
      %dma_wait3A_50 = tpu.memref_slice %arg2[%add3A_6] : memref<393216xf32, #tpu.memory_space<hbm>> -> memref<2048xf32, #tpu.memory_space<hbm>>
      %dma_wait3A_51 = arith.constant 2048 : i32
      %dma_wait3A_52 = tpu.memref_slice %arg5[%dma_wait3A_51] : memref<12288xf32, #tpu.memory_space<vmem>> -> memref<2048xf32, #tpu.memory_space<vmem>>
      %dma_wait3A_53 = tpu.memref_slice %arg2[%add3A_6] : memref<393216xf32, #tpu.memory_space<hbm>> -> memref<2048xf32, #tpu.memory_space<hbm>>
      tpu.wait_dma2 semaphore(%run_scoped3A : memref<!tpu.dma_semaphore, #tpu.memory_space<semaphore_mem>>) src(%dma_wait3A_53 : memref<2048xf32, #tpu.memory_space<hbm>>) dst(%dma_wait3A_52 : memref<2048xf32, #tpu.memory_space<vmem>>)
      tpu.yield
    }) : () -> ()
    %add3A_7 = arith.constant 131072 : i32
    %add3A_8 = arith.addi %add3A_7, %mul3A_2 : i32
    "tpu.region"() ({
      %run_scoped3A = tpu.sem_alloc : memref<!tpu.dma_semaphore, #tpu.memory_space<semaphore_mem>>
      %dma_start3A = arith.constant 4096 : i32
      %dma_start3A_44 = tpu.memref_slice %arg5[%dma_start3A] : memref<12288xf32, #tpu.memory_space<vmem>> -> memref<2048xf32, #tpu.memory_space<vmem>>
      %dma_start3A_45 = tpu.memref_slice %arg2[%add3A_8] : memref<393216xf32, #tpu.memory_space<hbm>> -> memref<2048xf32, #tpu.memory_space<hbm>>
      %dma_start3A_46 = arith.constant 4096 : i32
      %dma_start3A_47 = tpu.memref_slice %arg5[%dma_start3A_46] : memref<12288xf32, #tpu.memory_space<vmem>> -> memref<2048xf32, #tpu.memory_space<vmem>>
      %dma_start3A_48 = tpu.memref_slice %arg2[%add3A_8] : memref<393216xf32, #tpu.memory_space<hbm>> -> memref<2048xf32, #tpu.memory_space<hbm>>
      tpu.enqueue_dma source(%dma_start3A_48 : memref<2048xf32, #tpu.memory_space<hbm>>) target(%dma_start3A_47 : memref<2048xf32, #tpu.memory_space<vmem>>) target_semaphore(%run_scoped3A : memref<!tpu.dma_semaphore, #tpu.memory_space<semaphore_mem>>)
      %dma_wait3A = arith.constant 4096 : i32
      %dma_wait3A_49 = tpu.memref_slice %arg5[%dma_wait3A] : memref<12288xf32, #tpu.memory_space<vmem>> -> memref<2048xf32, #tpu.memory_space<vmem>>
      %dma_wait3A_50 = tpu.memref_slice %arg2[%add3A_8] : memref<393216xf32, #tpu.memory_space<hbm>> -> memref<2048xf32, #tpu.memory_space<hbm>>
      %dma_wait3A_51 = arith.constant 4096 : i32
      %dma_wait3A_52 = tpu.memref_slice %arg5[%dma_wait3A_51] : memref<12288xf32, #tpu.memory_space<vmem>> -> memref<2048xf32, #tpu.memory_space<vmem>>
      %dma_wait3A_53 = tpu.memref_slice %arg2[%add3A_8] : memref<393216xf32, #tpu.memory_space<hbm>> -> memref<2048xf32, #tpu.memory_space<hbm>>
      tpu.wait_dma2 semaphore(%run_scoped3A : memref<!tpu.dma_semaphore, #tpu.memory_space<semaphore_mem>>) src(%dma_wait3A_53 : memref<2048xf32, #tpu.memory_space<hbm>>) dst(%dma_wait3A_52 : memref<2048xf32, #tpu.memory_space<vmem>>)
      tpu.yield
    }) : () -> ()
    %add3A_9 = arith.constant 196608 : i32
    %add3A_10 = arith.addi %add3A_9, %mul3A_2 : i32
    "tpu.region"() ({
      %run_scoped3A = tpu.sem_alloc : memref<!tpu.dma_semaphore, #tpu.memory_space<semaphore_mem>>
      %dma_start3A = arith.constant 6144 : i32
      %dma_start3A_44 = tpu.memref_slice %arg5[%dma_start3A] : memref<12288xf32, #tpu.memory_space<vmem>> -> memref<2048xf32, #tpu.memory_space<vmem>>
      %dma_start3A_45 = tpu.memref_slice %arg2[%add3A_10] : memref<393216xf32, #tpu.memory_space<hbm>> -> memref<2048xf32, #tpu.memory_space<hbm>>
      %dma_start3A_46 = arith.constant 6144 : i32
      %dma_start3A_47 = tpu.memref_slice %arg5[%dma_start3A_46] : memref<12288xf32, #tpu.memory_space<vmem>> -> memref<2048xf32, #tpu.memory_space<vmem>>
      %dma_start3A_48 = tpu.memref_slice %arg2[%add3A_10] : memref<393216xf32, #tpu.memory_space<hbm>> -> memref<2048xf32, #tpu.memory_space<hbm>>
      tpu.enqueue_dma source(%dma_start3A_48 : memref<2048xf32, #tpu.memory_space<hbm>>) target(%dma_start3A_47 : memref<2048xf32, #tpu.memory_space<vmem>>) target_semaphore(%run_scoped3A : memref<!tpu.dma_semaphore, #tpu.memory_space<semaphore_mem>>)
      %dma_wait3A = arith.constant 6144 : i32
      %dma_wait3A_49 = tpu.memref_slice %arg5[%dma_wait3A] : memref<12288xf32, #tpu.memory_space<vmem>> -> memref<2048xf32, #tpu.memory_space<vmem>>
      %dma_wait3A_50 = tpu.memref_slice %arg2[%add3A_10] : memref<393216xf32, #tpu.memory_space<hbm>> -> memref<2048xf32, #tpu.memory_space<hbm>>
      %dma_wait3A_51 = arith.constant 6144 : i32
      %dma_wait3A_52 = tpu.memref_slice %arg5[%dma_wait3A_51] : memref<12288xf32, #tpu.memory_space<vmem>> -> memref<2048xf32, #tpu.memory_space<vmem>>
      %dma_wait3A_53 = tpu.memref_slice %arg2[%add3A_10] : memref<393216xf32, #tpu.memory_space<hbm>> -> memref<2048xf32, #tpu.memory_space<hbm>>
      tpu.wait_dma2 semaphore(%run_scoped3A : memref<!tpu.dma_semaphore, #tpu.memory_space<semaphore_mem>>) src(%dma_wait3A_53 : memref<2048xf32, #tpu.memory_space<hbm>>) dst(%dma_wait3A_52 : memref<2048xf32, #tpu.memory_space<vmem>>)
      tpu.yield
    }) : () -> ()
    %add3A_11 = arith.constant 262144 : i32
    %add3A_12 = arith.addi %add3A_11, %mul3A_2 : i32
    "tpu.region"() ({
      %run_scoped3A = tpu.sem_alloc : memref<!tpu.dma_semaphore, #tpu.memory_space<semaphore_mem>>
      %dma_start3A = arith.constant 8192 : i32
      %dma_start3A_44 = tpu.memref_slice %arg5[%dma_start3A] : memref<12288xf32, #tpu.memory_space<vmem>> -> memref<2048xf32, #tpu.memory_space<vmem>>
      %dma_start3A_45 = tpu.memref_slice %arg2[%add3A_12] : memref<393216xf32, #tpu.memory_space<hbm>> -> memref<2048xf32, #tpu.memory_space<hbm>>
      %dma_start3A_46 = arith.constant 8192 : i32
      %dma_start3A_47 = tpu.memref_slice %arg5[%dma_start3A_46] : memref<12288xf32, #tpu.memory_space<vmem>> -> memref<2048xf32, #tpu.memory_space<vmem>>
      %dma_start3A_48 = tpu.memref_slice %arg2[%add3A_12] : memref<393216xf32, #tpu.memory_space<hbm>> -> memref<2048xf32, #tpu.memory_space<hbm>>
      tpu.enqueue_dma source(%dma_start3A_48 : memref<2048xf32, #tpu.memory_space<hbm>>) target(%dma_start3A_47 : memref<2048xf32, #tpu.memory_space<vmem>>) target_semaphore(%run_scoped3A : memref<!tpu.dma_semaphore, #tpu.memory_space<semaphore_mem>>)
      %dma_wait3A = arith.constant 8192 : i32
      %dma_wait3A_49 = tpu.memref_slice %arg5[%dma_wait3A] : memref<12288xf32, #tpu.memory_space<vmem>> -> memref<2048xf32, #tpu.memory_space<vmem>>
      %dma_wait3A_50 = tpu.memref_slice %arg2[%add3A_12] : memref<393216xf32, #tpu.memory_space<hbm>> -> memref<2048xf32, #tpu.memory_space<hbm>>
      %dma_wait3A_51 = arith.constant 8192 : i32
      %dma_wait3A_52 = tpu.memref_slice %arg5[%dma_wait3A_51] : memref<12288xf32, #tpu.memory_space<vmem>> -> memref<2048xf32, #tpu.memory_space<vmem>>
      %dma_wait3A_53 = tpu.memref_slice %arg2[%add3A_12] : memref<393216xf32, #tpu.memory_space<hbm>> -> memref<2048xf32, #tpu.memory_space<hbm>>
      tpu.wait_dma2 semaphore(%run_scoped3A : memref<!tpu.dma_semaphore, #tpu.memory_space<semaphore_mem>>) src(%dma_wait3A_53 : memref<2048xf32, #tpu.memory_space<hbm>>) dst(%dma_wait3A_52 : memref<2048xf32, #tpu.memory_space<vmem>>)
      tpu.yield
    }) : () -> ()
    %add3A_13 = arith.constant 327680 : i32
    %add3A_14 = arith.addi %add3A_13, %mul3A_2 : i32
    "tpu.region"() ({
      %run_scoped3A = tpu.sem_alloc : memref<!tpu.dma_semaphore, #tpu.memory_space<semaphore_mem>>
      %dma_start3A = arith.constant 10240 : i32
      %dma_start3A_44 = tpu.memref_slice %arg5[%dma_start3A] : memref<12288xf32, #tpu.memory_space<vmem>> -> memref<2048xf32, #tpu.memory_space<vmem>>
      %dma_start3A_45 = tpu.memref_slice %arg2[%add3A_14] : memref<393216xf32, #tpu.memory_space<hbm>> -> memref<2048xf32, #tpu.memory_space<hbm>>
      %dma_start3A_46 = arith.constant 10240 : i32
      %dma_start3A_47 = tpu.memref_slice %arg5[%dma_start3A_46] : memref<12288xf32, #tpu.memory_space<vmem>> -> memref<2048xf32, #tpu.memory_space<vmem>>
      %dma_start3A_48 = tpu.memref_slice %arg2[%add3A_14] : memref<393216xf32, #tpu.memory_space<hbm>> -> memref<2048xf32, #tpu.memory_space<hbm>>
      tpu.enqueue_dma source(%dma_start3A_48 : memref<2048xf32, #tpu.memory_space<hbm>>) target(%dma_start3A_47 : memref<2048xf32, #tpu.memory_space<vmem>>) target_semaphore(%run_scoped3A : memref<!tpu.dma_semaphore, #tpu.memory_space<semaphore_mem>>)
      %dma_wait3A = arith.constant 10240 : i32
      %dma_wait3A_49 = tpu.memref_slice %arg5[%dma_wait3A] : memref<12288xf32, #tpu.memory_space<vmem>> -> memref<2048xf32, #tpu.memory_space<vmem>>
      %dma_wait3A_50 = tpu.memref_slice %arg2[%add3A_14] : memref<393216xf32, #tpu.memory_space<hbm>> -> memref<2048xf32, #tpu.memory_space<hbm>>
      %dma_wait3A_51 = arith.constant 10240 : i32
      %dma_wait3A_52 = tpu.memref_slice %arg5[%dma_wait3A_51] : memref<12288xf32, #tpu.memory_space<vmem>> -> memref<2048xf32, #tpu.memory_space<vmem>>
      %dma_wait3A_53 = tpu.memref_slice %arg2[%add3A_14] : memref<393216xf32, #tpu.memory_space<hbm>> -> memref<2048xf32, #tpu.memory_space<hbm>>
      tpu.wait_dma2 semaphore(%run_scoped3A : memref<!tpu.dma_semaphore, #tpu.memory_space<semaphore_mem>>) src(%dma_wait3A_53 : memref<2048xf32, #tpu.memory_space<hbm>>) dst(%dma_wait3A_52 : memref<2048xf32, #tpu.memory_space<vmem>>)
      tpu.yield
    }) : () -> ()
    %add3A_15 = arith.constant 0 : i32
    %add3A_16 = arith.addi %add3A_15, %mul3A_2 : i32
    "tpu.region"() ({
      %run_scoped3A = tpu.sem_alloc : memref<!tpu.dma_semaphore, #tpu.memory_space<semaphore_mem>>
      %dma_start3A = arith.constant 0 : i32
      %dma_start3A_44 = tpu.memref_slice %arg6[%dma_start3A] : memref<18432xf32, #tpu.memory_space<vmem>> -> memref<2048xf32, #tpu.memory_space<vmem>>
      %dma_start3A_45 = tpu.memref_slice %arg3[%add3A_16] : memref<589824xf32, #tpu.memory_space<hbm>> -> memref<2048xf32, #tpu.memory_space<hbm>>
      %dma_start3A_46 = arith.constant 0 : i32
      %dma_start3A_47 = tpu.memref_slice %arg6[%dma_start3A_46] : memref<18432xf32, #tpu.memory_space<vmem>> -> memref<2048xf32, #tpu.memory_space<vmem>>
      %dma_start3A_48 = tpu.memref_slice %arg3[%add3A_16] : memref<589824xf32, #tpu.memory_space<hbm>> -> memref<2048xf32, #tpu.memory_space<hbm>>
      tpu.enqueue_dma source(%dma_start3A_48 : memref<2048xf32, #tpu.memory_space<hbm>>) target(%dma_start3A_47 : memref<2048xf32, #tpu.memory_space<vmem>>) target_semaphore(%run_scoped3A : memref<!tpu.dma_semaphore, #tpu.memory_space<semaphore_mem>>)
      %dma_wait3A = arith.constant 0 : i32
      %dma_wait3A_49 = tpu.memref_slice %arg6[%dma_wait3A] : memref<18432xf32, #tpu.memory_space<vmem>> -> memref<2048xf32, #tpu.memory_space<vmem>>
      %dma_wait3A_50 = tpu.memref_slice %arg3[%add3A_16] : memref<589824xf32, #tpu.memory_space<hbm>> -> memref<2048xf32, #tpu.memory_space<hbm>>
      %dma_wait3A_51 = arith.constant 0 : i32
      %dma_wait3A_52 = tpu.memref_slice %arg6[%dma_wait3A_51] : memref<18432xf32, #tpu.memory_space<vmem>> -> memref<2048xf32, #tpu.memory_space<vmem>>
      %dma_wait3A_53 = tpu.memref_slice %arg3[%add3A_16] : memref<589824xf32, #tpu.memory_space<hbm>> -> memref<2048xf32, #tpu.memory_space<hbm>>
      tpu.wait_dma2 semaphore(%run_scoped3A : memref<!tpu.dma_semaphore, #tpu.memory_space<semaphore_mem>>) src(%dma_wait3A_53 : memref<2048xf32, #tpu.memory_space<hbm>>) dst(%dma_wait3A_52 : memref<2048xf32, #tpu.memory_space<vmem>>)
      tpu.yield
    }) : () -> ()
    %add3A_17 = arith.constant 65536 : i32
    %add3A_18 = arith.addi %add3A_17, %mul3A_2 : i32
    "tpu.region"() ({
      %run_scoped3A = tpu.sem_alloc : memref<!tpu.dma_semaphore, #tpu.memory_space<semaphore_mem>>
      %dma_start3A = arith.constant 2048 : i32
      %dma_start3A_44 = tpu.memref_slice %arg6[%dma_start3A] : memref<18432xf32, #tpu.memory_space<vmem>> -> memref<2048xf32, #tpu.memory_space<vmem>>
      %dma_start3A_45 = tpu.memref_slice %arg3[%add3A_18] : memref<589824xf32, #tpu.memory_space<hbm>> -> memref<2048xf32, #tpu.memory_space<hbm>>
      %dma_start3A_46 = arith.constant 2048 : i32
      %dma_start3A_47 = tpu.memref_slice %arg6[%dma_start3A_46] : memref<18432xf32, #tpu.memory_space<vmem>> -> memref<2048xf32, #tpu.memory_space<vmem>>
      %dma_start3A_48 = tpu.memref_slice %arg3[%add3A_18] : memref<589824xf32, #tpu.memory_space<hbm>> -> memref<2048xf32, #tpu.memory_space<hbm>>
      tpu.enqueue_dma source(%dma_start3A_48 : memref<2048xf32, #tpu.memory_space<hbm>>) target(%dma_start3A_47 : memref<2048xf32, #tpu.memory_space<vmem>>) target_semaphore(%run_scoped3A : memref<!tpu.dma_semaphore, #tpu.memory_space<semaphore_mem>>)
      %dma_wait3A = arith.constant 2048 : i32
      %dma_wait3A_49 = tpu.memref_slice %arg6[%dma_wait3A] : memref<18432xf32, #tpu.memory_space<vmem>> -> memref<2048xf32, #tpu.memory_space<vmem>>
      %dma_wait3A_50 = tpu.memref_slice %arg3[%add3A_18] : memref<589824xf32, #tpu.memory_space<hbm>> -> memref<2048xf32, #tpu.memory_space<hbm>>
      %dma_wait3A_51 = arith.constant 2048 : i32
      %dma_wait3A_52 = tpu.memref_slice %arg6[%dma_wait3A_51] : memref<18432xf32, #tpu.memory_space<vmem>> -> memref<2048xf32, #tpu.memory_space<vmem>>
      %dma_wait3A_53 = tpu.memref_slice %arg3[%add3A_18] : memref<589824xf32, #tpu.memory_space<hbm>> -> memref<2048xf32, #tpu.memory_space<hbm>>
      tpu.wait_dma2 semaphore(%run_scoped3A : memref<!tpu.dma_semaphore, #tpu.memory_space<semaphore_mem>>) src(%dma_wait3A_53 : memref<2048xf32, #tpu.memory_space<hbm>>) dst(%dma_wait3A_52 : memref<2048xf32, #tpu.memory_space<vmem>>)
      tpu.yield
    }) : () -> ()
    %add3A_19 = arith.constant 131072 : i32
    %add3A_20 = arith.addi %add3A_19, %mul3A_2 : i32
    "tpu.region"() ({
      %run_scoped3A = tpu.sem_alloc : memref<!tpu.dma_semaphore, #tpu.memory_space<semaphore_mem>>
      %dma_start3A = arith.constant 4096 : i32
      %dma_start3A_44 = tpu.memref_slice %arg6[%dma_start3A] : memref<18432xf32, #tpu.memory_space<vmem>> -> memref<2048xf32, #tpu.memory_space<vmem>>
      %dma_start3A_45 = tpu.memref_slice %arg3[%add3A_20] : memref<589824xf32, #tpu.memory_space<hbm>> -> memref<2048xf32, #tpu.memory_space<hbm>>
      %dma_start3A_46 = arith.constant 4096 : i32
      %dma_start3A_47 = tpu.memref_slice %arg6[%dma_start3A_46] : memref<18432xf32, #tpu.memory_space<vmem>> -> memref<2048xf32, #tpu.memory_space<vmem>>
      %dma_start3A_48 = tpu.memref_slice %arg3[%add3A_20] : memref<589824xf32, #tpu.memory_space<hbm>> -> memref<2048xf32, #tpu.memory_space<hbm>>
      tpu.enqueue_dma source(%dma_start3A_48 : memref<2048xf32, #tpu.memory_space<hbm>>) target(%dma_start3A_47 : memref<2048xf32, #tpu.memory_space<vmem>>) target_semaphore(%run_scoped3A : memref<!tpu.dma_semaphore, #tpu.memory_space<semaphore_mem>>)
      %dma_wait3A = arith.constant 4096 : i32
      %dma_wait3A_49 = tpu.memref_slice %arg6[%dma_wait3A] : memref<18432xf32, #tpu.memory_space<vmem>> -> memref<2048xf32, #tpu.memory_space<vmem>>
      %dma_wait3A_50 = tpu.memref_slice %arg3[%add3A_20] : memref<589824xf32, #tpu.memory_space<hbm>> -> memref<2048xf32, #tpu.memory_space<hbm>>
      %dma_wait3A_51 = arith.constant 4096 : i32
      %dma_wait3A_52 = tpu.memref_slice %arg6[%dma_wait3A_51] : memref<18432xf32, #tpu.memory_space<vmem>> -> memref<2048xf32, #tpu.memory_space<vmem>>
      %dma_wait3A_53 = tpu.memref_slice %arg3[%add3A_20] : memref<589824xf32, #tpu.memory_space<hbm>> -> memref<2048xf32, #tpu.memory_space<hbm>>
      tpu.wait_dma2 semaphore(%run_scoped3A : memref<!tpu.dma_semaphore, #tpu.memory_space<semaphore_mem>>) src(%dma_wait3A_53 : memref<2048xf32, #tpu.memory_space<hbm>>) dst(%dma_wait3A_52 : memref<2048xf32, #tpu.memory_space<vmem>>)
      tpu.yield
    }) : () -> ()
    %add3A_21 = arith.constant 196608 : i32
    %add3A_22 = arith.addi %add3A_21, %mul3A_2 : i32
    "tpu.region"() ({
      %run_scoped3A = tpu.sem_alloc : memref<!tpu.dma_semaphore, #tpu.memory_space<semaphore_mem>>
      %dma_start3A = arith.constant 6144 : i32
      %dma_start3A_44 = tpu.memref_slice %arg6[%dma_start3A] : memref<18432xf32, #tpu.memory_space<vmem>> -> memref<2048xf32, #tpu.memory_space<vmem>>
      %dma_start3A_45 = tpu.memref_slice %arg3[%add3A_22] : memref<589824xf32, #tpu.memory_space<hbm>> -> memref<2048xf32, #tpu.memory_space<hbm>>
      %dma_start3A_46 = arith.constant 6144 : i32
      %dma_start3A_47 = tpu.memref_slice %arg6[%dma_start3A_46] : memref<18432xf32, #tpu.memory_space<vmem>> -> memref<2048xf32, #tpu.memory_space<vmem>>
      %dma_start3A_48 = tpu.memref_slice %arg3[%add3A_22] : memref<589824xf32, #tpu.memory_space<hbm>> -> memref<2048xf32, #tpu.memory_space<hbm>>
      tpu.enqueue_dma source(%dma_start3A_48 : memref<2048xf32, #tpu.memory_space<hbm>>) target(%dma_start3A_47 : memref<2048xf32, #tpu.memory_space<vmem>>) target_semaphore(%run_scoped3A : memref<!tpu.dma_semaphore, #tpu.memory_space<semaphore_mem>>)
      %dma_wait3A = arith.constant 6144 : i32
      %dma_wait3A_49 = tpu.memref_slice %arg6[%dma_wait3A] : memref<18432xf32, #tpu.memory_space<vmem>> -> memref<2048xf32, #tpu.memory_space<vmem>>
      %dma_wait3A_50 = tpu.memref_slice %arg3[%add3A_22] : memref<589824xf32, #tpu.memory_space<hbm>> -> memref<2048xf32, #tpu.memory_space<hbm>>
      %dma_wait3A_51 = arith.constant 6144 : i32
      %dma_wait3A_52 = tpu.memref_slice %arg6[%dma_wait3A_51] : memref<18432xf32, #tpu.memory_space<vmem>> -> memref<2048xf32, #tpu.memory_space<vmem>>
      %dma_wait3A_53 = tpu.memref_slice %arg3[%add3A_22] : memref<589824xf32, #tpu.memory_space<hbm>> -> memref<2048xf32, #tpu.memory_space<hbm>>
      tpu.wait_dma2 semaphore(%run_scoped3A : memref<!tpu.dma_semaphore, #tpu.memory_space<semaphore_mem>>) src(%dma_wait3A_53 : memref<2048xf32, #tpu.memory_space<hbm>>) dst(%dma_wait3A_52 : memref<2048xf32, #tpu.memory_space<vmem>>)
      tpu.yield
    }) : () -> ()
    %add3A_23 = arith.constant 262144 : i32
    %add3A_24 = arith.addi %add3A_23, %mul3A_2 : i32
    "tpu.region"() ({
      %run_scoped3A = tpu.sem_alloc : memref<!tpu.dma_semaphore, #tpu.memory_space<semaphore_mem>>
      %dma_start3A = arith.constant 8192 : i32
      %dma_start3A_44 = tpu.memref_slice %arg6[%dma_start3A] : memref<18432xf32, #tpu.memory_space<vmem>> -> memref<2048xf32, #tpu.memory_space<vmem>>
      %dma_start3A_45 = tpu.memref_slice %arg3[%add3A_24] : memref<589824xf32, #tpu.memory_space<hbm>> -> memref<2048xf32, #tpu.memory_space<hbm>>
      %dma_start3A_46 = arith.constant 8192 : i32
      %dma_start3A_47 = tpu.memref_slice %arg6[%dma_start3A_46] : memref<18432xf32, #tpu.memory_space<vmem>> -> memref<2048xf32, #tpu.memory_space<vmem>>
      %dma_start3A_48 = tpu.memref_slice %arg3[%add3A_24] : memref<589824xf32, #tpu.memory_space<hbm>> -> memref<2048xf32, #tpu.memory_space<hbm>>
      tpu.enqueue_dma source(%dma_start3A_48 : memref<2048xf32, #tpu.memory_space<hbm>>) target(%dma_start3A_47 : memref<2048xf32, #tpu.memory_space<vmem>>) target_semaphore(%run_scoped3A : memref<!tpu.dma_semaphore, #tpu.memory_space<semaphore_mem>>)
      %dma_wait3A = arith.constant 8192 : i32
      %dma_wait3A_49 = tpu.memref_slice %arg6[%dma_wait3A] : memref<18432xf32, #tpu.memory_space<vmem>> -> memref<2048xf32, #tpu.memory_space<vmem>>
      %dma_wait3A_50 = tpu.memref_slice %arg3[%add3A_24] : memref<589824xf32, #tpu.memory_space<hbm>> -> memref<2048xf32, #tpu.memory_space<hbm>>
      %dma_wait3A_51 = arith.constant 8192 : i32
      %dma_wait3A_52 = tpu.memref_slice %arg6[%dma_wait3A_51] : memref<18432xf32, #tpu.memory_space<vmem>> -> memref<2048xf32, #tpu.memory_space<vmem>>
      %dma_wait3A_53 = tpu.memref_slice %arg3[%add3A_24] : memref<589824xf32, #tpu.memory_space<hbm>> -> memref<2048xf32, #tpu.memory_space<hbm>>
      tpu.wait_dma2 semaphore(%run_scoped3A : memref<!tpu.dma_semaphore, #tpu.memory_space<semaphore_mem>>) src(%dma_wait3A_53 : memref<2048xf32, #tpu.memory_space<hbm>>) dst(%dma_wait3A_52 : memref<2048xf32, #tpu.memory_space<vmem>>)
      tpu.yield
    }) : () -> ()
    %add3A_25 = arith.constant 327680 : i32
    %add3A_26 = arith.addi %add3A_25, %mul3A_2 : i32
    "tpu.region"() ({
      %run_scoped3A = tpu.sem_alloc : memref<!tpu.dma_semaphore, #tpu.memory_space<semaphore_mem>>
      %dma_start3A = arith.constant 10240 : i32
      %dma_start3A_44 = tpu.memref_slice %arg6[%dma_start3A] : memref<18432xf32, #tpu.memory_space<vmem>> -> memref<2048xf32, #tpu.memory_space<vmem>>
      %dma_start3A_45 = tpu.memref_slice %arg3[%add3A_26] : memref<589824xf32, #tpu.memory_space<hbm>> -> memref<2048xf32, #tpu.memory_space<hbm>>
      %dma_start3A_46 = arith.constant 10240 : i32
      %dma_start3A_47 = tpu.memref_slice %arg6[%dma_start3A_46] : memref<18432xf32, #tpu.memory_space<vmem>> -> memref<2048xf32, #tpu.memory_space<vmem>>
      %dma_start3A_48 = tpu.memref_slice %arg3[%add3A_26] : memref<589824xf32, #tpu.memory_space<hbm>> -> memref<2048xf32, #tpu.memory_space<hbm>>
      tpu.enqueue_dma source(%dma_start3A_48 : memref<2048xf32, #tpu.memory_space<hbm>>) target(%dma_start3A_47 : memref<2048xf32, #tpu.memory_space<vmem>>) target_semaphore(%run_scoped3A : memref<!tpu.dma_semaphore, #tpu.memory_space<semaphore_mem>>)
      %dma_wait3A = arith.constant 10240 : i32
      %dma_wait3A_49 = tpu.memref_slice %arg6[%dma_wait3A] : memref<18432xf32, #tpu.memory_space<vmem>> -> memref<2048xf32, #tpu.memory_space<vmem>>
      %dma_wait3A_50 = tpu.memref_slice %arg3[%add3A_26] : memref<589824xf32, #tpu.memory_space<hbm>> -> memref<2048xf32, #tpu.memory_space<hbm>>
      %dma_wait3A_51 = arith.constant 10240 : i32
      %dma_wait3A_52 = tpu.memref_slice %arg6[%dma_wait3A_51] : memref<18432xf32, #tpu.memory_space<vmem>> -> memref<2048xf32, #tpu.memory_space<vmem>>
      %dma_wait3A_53 = tpu.memref_slice %arg3[%add3A_26] : memref<589824xf32, #tpu.memory_space<hbm>> -> memref<2048xf32, #tpu.memory_space<hbm>>
      tpu.wait_dma2 semaphore(%run_scoped3A : memref<!tpu.dma_semaphore, #tpu.memory_space<semaphore_mem>>) src(%dma_wait3A_53 : memref<2048xf32, #tpu.memory_space<hbm>>) dst(%dma_wait3A_52 : memref<2048xf32, #tpu.memory_space<vmem>>)
      tpu.yield
    }) : () -> ()
    %add3A_27 = arith.constant 393216 : i32
    %add3A_28 = arith.addi %add3A_27, %mul3A_2 : i32
    "tpu.region"() ({
      %run_scoped3A = tpu.sem_alloc : memref<!tpu.dma_semaphore, #tpu.memory_space<semaphore_mem>>
      %dma_start3A = arith.constant 12288 : i32
      %dma_start3A_44 = tpu.memref_slice %arg6[%dma_start3A] : memref<18432xf32, #tpu.memory_space<vmem>> -> memref<2048xf32, #tpu.memory_space<vmem>>
      %dma_start3A_45 = tpu.memref_slice %arg3[%add3A_28] : memref<589824xf32, #tpu.memory_space<hbm>> -> memref<2048xf32, #tpu.memory_space<hbm>>
      %dma_start3A_46 = arith.constant 12288 : i32
      %dma_start3A_47 = tpu.memref_slice %arg6[%dma_start3A_46] : memref<18432xf32, #tpu.memory_space<vmem>> -> memref<2048xf32, #tpu.memory_space<vmem>>
      %dma_start3A_48 = tpu.memref_slice %arg3[%add3A_28] : memref<589824xf32, #tpu.memory_space<hbm>> -> memref<2048xf32, #tpu.memory_space<hbm>>
      tpu.enqueue_dma source(%dma_start3A_48 : memref<2048xf32, #tpu.memory_space<hbm>>) target(%dma_start3A_47 : memref<2048xf32, #tpu.memory_space<vmem>>) target_semaphore(%run_scoped3A : memref<!tpu.dma_semaphore, #tpu.memory_space<semaphore_mem>>)
      %dma_wait3A = arith.constant 12288 : i32
      %dma_wait3A_49 = tpu.memref_slice %arg6[%dma_wait3A] : memref<18432xf32, #tpu.memory_space<vmem>> -> memref<2048xf32, #tpu.memory_space<vmem>>
      %dma_wait3A_50 = tpu.memref_slice %arg3[%add3A_28] : memref<589824xf32, #tpu.memory_space<hbm>> -> memref<2048xf32, #tpu.memory_space<hbm>>
      %dma_wait3A_51 = arith.constant 12288 : i32
      %dma_wait3A_52 = tpu.memref_slice %arg6[%dma_wait3A_51] : memref<18432xf32, #tpu.memory_space<vmem>> -> memref<2048xf32, #tpu.memory_space<vmem>>
      %dma_wait3A_53 = tpu.memref_slice %arg3[%add3A_28] : memref<589824xf32, #tpu.memory_space<hbm>> -> memref<2048xf32, #tpu.memory_space<hbm>>
      tpu.wait_dma2 semaphore(%run_scoped3A : memref<!tpu.dma_semaphore, #tpu.memory_space<semaphore_mem>>) src(%dma_wait3A_53 : memref<2048xf32, #tpu.memory_space<hbm>>) dst(%dma_wait3A_52 : memref<2048xf32, #tpu.memory_space<vmem>>)
      tpu.yield
    }) : () -> ()
    %add3A_29 = arith.constant 458752 : i32
    %add3A_30 = arith.addi %add3A_29, %mul3A_2 : i32
    "tpu.region"() ({
      %run_scoped3A = tpu.sem_alloc : memref<!tpu.dma_semaphore, #tpu.memory_space<semaphore_mem>>
      %dma_start3A = arith.constant 14336 : i32
      %dma_start3A_44 = tpu.memref_slice %arg6[%dma_start3A] : memref<18432xf32, #tpu.memory_space<vmem>> -> memref<2048xf32, #tpu.memory_space<vmem>>
      %dma_start3A_45 = tpu.memref_slice %arg3[%add3A_30] : memref<589824xf32, #tpu.memory_space<hbm>> -> memref<2048xf32, #tpu.memory_space<hbm>>
      %dma_start3A_46 = arith.constant 14336 : i32
      %dma_start3A_47 = tpu.memref_slice %arg6[%dma_start3A_46] : memref<18432xf32, #tpu.memory_space<vmem>> -> memref<2048xf32, #tpu.memory_space<vmem>>
      %dma_start3A_48 = tpu.memref_slice %arg3[%add3A_30] : memref<589824xf32, #tpu.memory_space<hbm>> -> memref<2048xf32, #tpu.memory_space<hbm>>
      tpu.enqueue_dma source(%dma_start3A_48 : memref<2048xf32, #tpu.memory_space<hbm>>) target(%dma_start3A_47 : memref<2048xf32, #tpu.memory_space<vmem>>) target_semaphore(%run_scoped3A : memref<!tpu.dma_semaphore, #tpu.memory_space<semaphore_mem>>)
      %dma_wait3A = arith.constant 14336 : i32
      %dma_wait3A_49 = tpu.memref_slice %arg6[%dma_wait3A] : memref<18432xf32, #tpu.memory_space<vmem>> -> memref<2048xf32, #tpu.memory_space<vmem>>
      %dma_wait3A_50 = tpu.memref_slice %arg3[%add3A_30] : memref<589824xf32, #tpu.memory_space<hbm>> -> memref<2048xf32, #tpu.memory_space<hbm>>
      %dma_wait3A_51 = arith.constant 14336 : i32
      %dma_wait3A_52 = tpu.memref_slice %arg6[%dma_wait3A_51] : memref<18432xf32, #tpu.memory_space<vmem>> -> memref<2048xf32, #tpu.memory_space<vmem>>
      %dma_wait3A_53 = tpu.memref_slice %arg3[%add3A_30] : memref<589824xf32, #tpu.memory_space<hbm>> -> memref<2048xf32, #tpu.memory_space<hbm>>
      tpu.wait_dma2 semaphore(%run_scoped3A : memref<!tpu.dma_semaphore, #tpu.memory_space<semaphore_mem>>) src(%dma_wait3A_53 : memref<2048xf32, #tpu.memory_space<hbm>>) dst(%dma_wait3A_52 : memref<2048xf32, #tpu.memory_space<vmem>>)
      tpu.yield
    }) : () -> ()
    %add3A_31 = arith.constant 524288 : i32
    %add3A_32 = arith.addi %add3A_31, %mul3A_2 : i32
    "tpu.region"() ({
      %run_scoped3A = tpu.sem_alloc : memref<!tpu.dma_semaphore, #tpu.memory_space<semaphore_mem>>
      %dma_start3A = arith.constant 16384 : i32
      %dma_start3A_44 = tpu.memref_slice %arg6[%dma_start3A] : memref<18432xf32, #tpu.memory_space<vmem>> -> memref<2048xf32, #tpu.memory_space<vmem>>
      %dma_start3A_45 = tpu.memref_slice %arg3[%add3A_32] : memref<589824xf32, #tpu.memory_space<hbm>> -> memref<2048xf32, #tpu.memory_space<hbm>>
      %dma_start3A_46 = arith.constant 16384 : i32
      %dma_start3A_47 = tpu.memref_slice %arg6[%dma_start3A_46] : memref<18432xf32, #tpu.memory_space<vmem>> -> memref<2048xf32, #tpu.memory_space<vmem>>
      %dma_start3A_48 = tpu.memref_slice %arg3[%add3A_32] : memref<589824xf32, #tpu.memory_space<hbm>> -> memref<2048xf32, #tpu.memory_space<hbm>>
      tpu.enqueue_dma source(%dma_start3A_48 : memref<2048xf32, #tpu.memory_space<hbm>>) target(%dma_start3A_47 : memref<2048xf32, #tpu.memory_space<vmem>>) target_semaphore(%run_scoped3A : memref<!tpu.dma_semaphore, #tpu.memory_space<semaphore_mem>>)
      %dma_wait3A = arith.constant 16384 : i32
      %dma_wait3A_49 = tpu.memref_slice %arg6[%dma_wait3A] : memref<18432xf32, #tpu.memory_space<vmem>> -> memref<2048xf32, #tpu.memory_space<vmem>>
      %dma_wait3A_50 = tpu.memref_slice %arg3[%add3A_32] : memref<589824xf32, #tpu.memory_space<hbm>> -> memref<2048xf32, #tpu.memory_space<hbm>>
      %dma_wait3A_51 = arith.constant 16384 : i32
      %dma_wait3A_52 = tpu.memref_slice %arg6[%dma_wait3A_51] : memref<18432xf32, #tpu.memory_space<vmem>> -> memref<2048xf32, #tpu.memory_space<vmem>>
      %dma_wait3A_53 = tpu.memref_slice %arg3[%add3A_32] : memref<589824xf32, #tpu.memory_space<hbm>> -> memref<2048xf32, #tpu.memory_space<hbm>>
      tpu.wait_dma2 semaphore(%run_scoped3A : memref<!tpu.dma_semaphore, #tpu.memory_space<semaphore_mem>>) src(%dma_wait3A_53 : memref<2048xf32, #tpu.memory_space<hbm>>) dst(%dma_wait3A_52 : memref<2048xf32, #tpu.memory_space<vmem>>)
      tpu.yield
    }) : () -> ()
    %scan3A = arith.constant 0 : i32
    %scan3A_33 = arith.constant 0 : i32
    %scan3A_34 = arith.constant 128 : i32
    %scan3A_35 = arith.addi %scan3A_33, %scan3A_34 : i32
    %scan3A_36 = arith.constant 1 : i32
    scf.for %scan3A_44 = %scan3A_33 to %scan3A_35 step %scan3A_36  : i32 {
      %mul3A_45 = arith.constant 16 : i32
      %mul3A_46 = arith.muli %scan3A_44, %mul3A_45 : i32
      %add3A_47 = arith.constant 0 : i32
      %add3A_48 = arith.addi %add3A_47, %mul3A_46 : i32
      %get3A = arith.index_cast %add3A_48 : i32 to index
      %get3A_49 = tpu.vector_load %arg5[%get3A] {strides = array<i32>} : memref<12288xf32, #tpu.memory_space<vmem>>, vector<16xf32>,
      %get3A_50 = vector.shape_cast %get3A_49 : vector<16xf32> to vector<16xf32>
      %add3A_51 = arith.constant 6144 : i32
      %add3A_52 = arith.addi %add3A_51, %mul3A_46 : i32
      %get3A_53 = arith.index_cast %add3A_52 : i32 to index
      %get3A_54 = tpu.vector_load %arg5[%get3A_53] {strides = array<i32>} : memref<12288xf32, #tpu.memory_space<vmem>>, vector<16xf32>,
      %get3A_55 = vector.shape_cast %get3A_54 : vector<16xf32> to vector<16xf32>
      %add3A_56 = arith.addf %get3A_50, %get3A_55 : vector<16xf32>
      %add3A_57 = arith.constant 2048 : i32
      %add3A_58 = arith.addi %add3A_57, %mul3A_46 : i32
      %get3A_59 = arith.index_cast %add3A_58 : i32 to index
      %get3A_60 = tpu.vector_load %arg5[%get3A_59] {strides = array<i32>} : memref<12288xf32, #tpu.memory_space<vmem>>, vector<16xf32>,
      %get3A_61 = vector.shape_cast %get3A_60 : vector<16xf32> to vector<16xf32>
      %add3A_62 = arith.constant 8192 : i32
      %add3A_63 = arith.addi %add3A_62, %mul3A_46 : i32
      %get3A_64 = arith.index_cast %add3A_63 : i32 to index
      %get3A_65 = tpu.vector_load %arg5[%get3A_64] {strides = array<i32>} : memref<12288xf32, #tpu.memory_space<vmem>>, vector<16xf32>,
      %get3A_66 = vector.shape_cast %get3A_65 : vector<16xf32> to vector<16xf32>
      %add3A_67 = arith.addf %get3A_61, %get3A_66 : vector<16xf32>
      %add3A_68 = arith.constant 4096 : i32
      %add3A_69 = arith.addi %add3A_68, %mul3A_46 : i32
      %get3A_70 = arith.index_cast %add3A_69 : i32 to index
      %get3A_71 = tpu.vector_load %arg5[%get3A_70] {strides = array<i32>} : memref<12288xf32, #tpu.memory_space<vmem>>, vector<16xf32>,
      %get3A_72 = vector.shape_cast %get3A_71 : vector<16xf32> to vector<16xf32>
      %add3A_73 = arith.constant 10240 : i32
      %add3A_74 = arith.addi %add3A_73, %mul3A_46 : i32
      %get3A_75 = arith.index_cast %add3A_74 : i32 to index
      %get3A_76 = tpu.vector_load %arg5[%get3A_75] {strides = array<i32>} : memref<12288xf32, #tpu.memory_space<vmem>>, vector<16xf32>,
      %get3A_77 = vector.shape_cast %get3A_76 : vector<16xf32> to vector<16xf32>
      %add3A_78 = arith.addf %get3A_72, %get3A_77 : vector<16xf32>
      %add3A_79 = arith.constant 0 : i32
      %add3A_80 = arith.addi %add3A_79, %mul3A_46 : i32
      %get3A_81 = arith.index_cast %add3A_80 : i32 to index
      %get3A_82 = tpu.vector_load %arg6[%get3A_81] {strides = array<i32>} : memref<18432xf32, #tpu.memory_space<vmem>>, vector<16xf32>,
      %get3A_83 = vector.shape_cast %get3A_82 : vector<16xf32> to vector<16xf32>
      %mul3A_84 = arith.mulf %add3A_56, %get3A_83 : vector<16xf32>
      %add3A_85 = arith.constant 6144 : i32
      %add3A_86 = arith.addi %add3A_85, %mul3A_46 : i32
      %get3A_87 = arith.index_cast %add3A_86 : i32 to index
      %get3A_88 = tpu.vector_load %arg6[%get3A_87] {strides = array<i32>} : memref<18432xf32, #tpu.memory_space<vmem>>, vector<16xf32>,
      %get3A_89 = vector.shape_cast %get3A_88 : vector<16xf32> to vector<16xf32>
      %mul3A_90 = arith.mulf %add3A_67, %get3A_89 : vector<16xf32>
      %add3A_91 = arith.addf %mul3A_84, %mul3A_90 : vector<16xf32>
      %add3A_92 = arith.constant 12288 : i32
      %add3A_93 = arith.addi %add3A_92, %mul3A_46 : i32
      %get3A_94 = arith.index_cast %add3A_93 : i32 to index
      %get3A_95 = tpu.vector_load %arg6[%get3A_94] {strides = array<i32>} : memref<18432xf32, #tpu.memory_space<vmem>>, vector<16xf32>,
      %get3A_96 = vector.shape_cast %get3A_95 : vector<16xf32> to vector<16xf32>
      %mul3A_97 = arith.mulf %add3A_78, %get3A_96 : vector<16xf32>
      %add3A_98 = arith.addf %add3A_91, %mul3A_97 : vector<16xf32>
      %add3A_99 = arith.constant 0 : i32
      %add3A_100 = arith.addi %add3A_99, %mul3A_46 : i32
      %swap3A = arith.index_cast %add3A_100 : i32 to index
      %swap3A_101 = tpu.vector_load %arg7[%swap3A] {strides = array<i32>} : memref<6144xf32, #tpu.memory_space<vmem>>, vector<16xf32>,
      %swap3A_102 = vector.shape_cast %swap3A_101 : vector<16xf32> to vector<16xf32>
      %swap3A_103 = vector.shape_cast %add3A_98 : vector<16xf32> to vector<16xf32>
      tpu.vector_store %arg7[%swap3A], %swap3A_103 {strides = array<i32>} : memref<6144xf32, #tpu.memory_space<vmem>>, vector<16xf32>,
      %add3A_104 = arith.constant 2048 : i32
      %add3A_105 = arith.addi %add3A_104, %mul3A_46 : i32
      %get3A_106 = arith.index_cast %add3A_105 : i32 to index
      %get3A_107 = tpu.vector_load %arg6[%get3A_106] {strides = array<i32>} : memref<18432xf32, #tpu.memory_space<vmem>>, vector<16xf32>,
      %get3A_108 = vector.shape_cast %get3A_107 : vector<16xf32> to vector<16xf32>
      %mul3A_109 = arith.mulf %add3A_56, %get3A_108 : vector<16xf32>
      %add3A_110 = arith.constant 8192 : i32
      %add3A_111 = arith.addi %add3A_110, %mul3A_46 : i32
      %get3A_112 = arith.index_cast %add3A_111 : i32 to index
      %get3A_113 = tpu.vector_load %arg6[%get3A_112] {strides = array<i32>} : memref<18432xf32, #tpu.memory_space<vmem>>, vector<16xf32>,
      %get3A_114 = vector.shape_cast %get3A_113 : vector<16xf32> to vector<16xf32>
      %mul3A_115 = arith.mulf %add3A_67, %get3A_114 : vector<16xf32>
      %add3A_116 = arith.addf %mul3A_109, %mul3A_115 : vector<16xf32>
      %add3A_117 = arith.constant 14336 : i32
      %add3A_118 = arith.addi %add3A_117, %mul3A_46 : i32
      %get3A_119 = arith.index_cast %add3A_118 : i32 to index
      %get3A_120 = tpu.vector_load %arg6[%get3A_119] {strides = array<i32>} : memref<18432xf32, #tpu.memory_space<vmem>>, vector<16xf32>,
      %get3A_121 = vector.shape_cast %get3A_120 : vector<16xf32> to vector<16xf32>
      %mul3A_122 = arith.mulf %add3A_78, %get3A_121 : vector<16xf32>
      %add3A_123 = arith.addf %add3A_116, %mul3A_122 : vector<16xf32>
      %add3A_124 = arith.constant 2048 : i32
      %add3A_125 = arith.addi %add3A_124, %mul3A_46 : i32
      %swap3A_126 = arith.index_cast %add3A_125 : i32 to index
      %swap3A_127 = tpu.vector_load %arg7[%swap3A_126] {strides = array<i32>} : memref<6144xf32, #tpu.memory_space<vmem>>, vector<16xf32>,
      %swap3A_128 = vector.shape_cast %swap3A_127 : vector<16xf32> to vector<16xf32>
      %swap3A_129 = vector.shape_cast %add3A_123 : vector<16xf32> to vector<16xf32>
      tpu.vector_store %arg7[%swap3A_126], %swap3A_129 {strides = array<i32>} : memref<6144xf32, #tpu.memory_space<vmem>>, vector<16xf32>,
      %add3A_130 = arith.constant 4096 : i32
      %add3A_131 = arith.addi %add3A_130, %mul3A_46 : i32
      %get3A_132 = arith.index_cast %add3A_131 : i32 to index
      %get3A_133 = tpu.vector_load %arg6[%get3A_132] {strides = array<i32>} : memref<18432xf32, #tpu.memory_space<vmem>>, vector<16xf32>,
      %get3A_134 = vector.shape_cast %get3A_133 : vector<16xf32> to vector<16xf32>
      %mul3A_135 = arith.mulf %add3A_56, %get3A_134 : vector<16xf32>
      %add3A_136 = arith.constant 10240 : i32
      %add3A_137 = arith.addi %add3A_136, %mul3A_46 : i32
      %get3A_138 = arith.index_cast %add3A_137 : i32 to index
      %get3A_139 = tpu.vector_load %arg6[%get3A_138] {strides = array<i32>} : memref<18432xf32, #tpu.memory_space<vmem>>, vector<16xf32>,
      %get3A_140 = vector.shape_cast %get3A_139 : vector<16xf32> to vector<16xf32>
      %mul3A_141 = arith.mulf %add3A_67, %get3A_140 : vector<16xf32>
      %add3A_142 = arith.addf %mul3A_135, %mul3A_141 : vector<16xf32>
      %add3A_143 = arith.constant 16384 : i32
      %add3A_144 = arith.addi %add3A_143, %mul3A_46 : i32
      %get3A_145 = arith.index_cast %add3A_144 : i32 to index
      %get3A_146 = tpu.vector_load %arg6[%get3A_145] {strides = array<i32>} : memref<18432xf32, #tpu.memory_space<vmem>>, vector<16xf32>,
      %get3A_147 = vector.shape_cast %get3A_146 : vector<16xf32> to vector<16xf32>
      %mul3A_148 = arith.mulf %add3A_78, %get3A_147 : vector<16xf32>
      %add3A_149 = arith.addf %add3A_142, %mul3A_148 : vector<16xf32>
      %add3A_150 = arith.constant 4096 : i32
      %add3A_151 = arith.addi %add3A_150, %mul3A_46 : i32
      %swap3A_152 = arith.index_cast %add3A_151 : i32 to index
      %swap3A_153 = tpu.vector_load %arg7[%swap3A_152] {strides = array<i32>} : memref<6144xf32, #tpu.memory_space<vmem>>, vector<16xf32>,
      %swap3A_154 = vector.shape_cast %swap3A_153 : vector<16xf32> to vector<16xf32>
      %swap3A_155 = vector.shape_cast %add3A_149 : vector<16xf32> to vector<16xf32>
      tpu.vector_store %arg7[%swap3A_152], %swap3A_155 {strides = array<i32>} : memref<6144xf32, #tpu.memory_space<vmem>>, vector<16xf32>,
    }
    %scan3A_37 = arith.constant 128 : i32
    %add3A_38 = arith.constant 0 : i32
    %add3A_39 = arith.addi %add3A_38, %mul3A_2 : i32
    "tpu.region"() ({
      %run_scoped3A = tpu.sem_alloc : memref<!tpu.dma_semaphore, #tpu.memory_space<semaphore_mem>>
      %dma_start3A = arith.constant 0 : i32
      %dma_start3A_44 = tpu.memref_slice %arg7[%dma_start3A] : memref<6144xf32, #tpu.memory_space<vmem>> -> memref<2048xf32, #tpu.memory_space<vmem>>
      %dma_start3A_45 = tpu.memref_slice %arg4[%add3A_39] : memref<196608xf32, #tpu.memory_space<hbm>> -> memref<2048xf32, #tpu.memory_space<hbm>>
      %dma_start3A_46 = tpu.memref_slice %arg4[%add3A_39] : memref<196608xf32, #tpu.memory_space<hbm>> -> memref<2048xf32, #tpu.memory_space<hbm>>
      %dma_start3A_47 = arith.constant 0 : i32
      %dma_start3A_48 = tpu.memref_slice %arg7[%dma_start3A_47] : memref<6144xf32, #tpu.memory_space<vmem>> -> memref<2048xf32, #tpu.memory_space<vmem>>
      tpu.enqueue_dma source(%dma_start3A_48 : memref<2048xf32, #tpu.memory_space<vmem>>) target(%dma_start3A_46 : memref<2048xf32, #tpu.memory_space<hbm>>) target_semaphore(%run_scoped3A : memref<!tpu.dma_semaphore, #tpu.memory_space<semaphore_mem>>)
      %dma_wait3A = arith.constant 0 : i32
      %dma_wait3A_49 = tpu.memref_slice %arg7[%dma_wait3A] : memref<6144xf32, #tpu.memory_space<vmem>> -> memref<2048xf32, #tpu.memory_space<vmem>>
      %dma_wait3A_50 = tpu.memref_slice %arg4[%add3A_39] : memref<196608xf32, #tpu.memory_space<hbm>> -> memref<2048xf32, #tpu.memory_space<hbm>>
      %dma_wait3A_51 = tpu.memref_slice %arg4[%add3A_39] : memref<196608xf32, #tpu.memory_space<hbm>> -> memref<2048xf32, #tpu.memory_space<hbm>>
      %dma_wait3A_52 = arith.constant 0 : i32
      %dma_wait3A_53 = tpu.memref_slice %arg7[%dma_wait3A_52] : memref<6144xf32, #tpu.memory_space<vmem>> -> memref<2048xf32, #tpu.memory_space<vmem>>
      tpu.wait_dma2 semaphore(%run_scoped3A : memref<!tpu.dma_semaphore, #tpu.memory_space<semaphore_mem>>) src(%dma_wait3A_53 : memref<2048xf32, #tpu.memory_space<vmem>>) dst(%dma_wait3A_51 : memref<2048xf32, #tpu.memory_space<hbm>>)
      tpu.yield
    }) : () -> ()
    %add3A_40 = arith.constant 65536 : i32
    %add3A_41 = arith.addi %add3A_40, %mul3A_2 : i32
    "tpu.region"() ({
      %run_scoped3A = tpu.sem_alloc : memref<!tpu.dma_semaphore, #tpu.memory_space<semaphore_mem>>
      %dma_start3A = arith.constant 2048 : i32
      %dma_start3A_44 = tpu.memref_slice %arg7[%dma_start3A] : memref<6144xf32, #tpu.memory_space<vmem>> -> memref<2048xf32, #tpu.memory_space<vmem>>
      %dma_start3A_45 = tpu.memref_slice %arg4[%add3A_41] : memref<196608xf32, #tpu.memory_space<hbm>> -> memref<2048xf32, #tpu.memory_space<hbm>>
      %dma_start3A_46 = tpu.memref_slice %arg4[%add3A_41] : memref<196608xf32, #tpu.memory_space<hbm>> -> memref<2048xf32, #tpu.memory_space<hbm>>
      %dma_start3A_47 = arith.constant 2048 : i32
      %dma_start3A_48 = tpu.memref_slice %arg7[%dma_start3A_47] : memref<6144xf32, #tpu.memory_space<vmem>> -> memref<2048xf32, #tpu.memory_space<vmem>>
      tpu.enqueue_dma source(%dma_start3A_48 : memref<2048xf32, #tpu.memory_space<vmem>>) target(%dma_start3A_46 : memref<2048xf32, #tpu.memory_space<hbm>>) target_semaphore(%run_scoped3A : memref<!tpu.dma_semaphore, #tpu.memory_space<semaphore_mem>>)
      %dma_wait3A = arith.constant 2048 : i32
      %dma_wait3A_49 = tpu.memref_slice %arg7[%dma_wait3A] : memref<6144xf32, #tpu.memory_space<vmem>> -> memref<2048xf32, #tpu.memory_space<vmem>>
      %dma_wait3A_50 = tpu.memref_slice %arg4[%add3A_41] : memref<196608xf32, #tpu.memory_space<hbm>> -> memref<2048xf32, #tpu.memory_space<hbm>>
      %dma_wait3A_51 = tpu.memref_slice %arg4[%add3A_41] : memref<196608xf32, #tpu.memory_space<hbm>> -> memref<2048xf32, #tpu.memory_space<hbm>>
      %dma_wait3A_52 = arith.constant 2048 : i32
      %dma_wait3A_53 = tpu.memref_slice %arg7[%dma_wait3A_52] : memref<6144xf32, #tpu.memory_space<vmem>> -> memref<2048xf32, #tpu.memory_space<vmem>>
      tpu.wait_dma2 semaphore(%run_scoped3A : memref<!tpu.dma_semaphore, #tpu.memory_space<semaphore_mem>>) src(%dma_wait3A_53 : memref<2048xf32, #tpu.memory_space<vmem>>) dst(%dma_wait3A_51 : memref<2048xf32, #tpu.memory_space<hbm>>)
      tpu.yield
    }) : () -> ()
    %add3A_42 = arith.constant 131072 : i32
    %add3A_43 = arith.addi %add3A_42, %mul3A_2 : i32
    "tpu.region"() ({
      %run_scoped3A = tpu.sem_alloc : memref<!tpu.dma_semaphore, #tpu.memory_space<semaphore_mem>>
      %dma_start3A = arith.constant 4096 : i32
      %dma_start3A_44 = tpu.memref_slice %arg7[%dma_start3A] : memref<6144xf32, #tpu.memory_space<vmem>> -> memref<2048xf32, #tpu.memory_space<vmem>>
      %dma_start3A_45 = tpu.memref_slice %arg4[%add3A_43] : memref<196608xf32, #tpu.memory_space<hbm>> -> memref<2048xf32, #tpu.memory_space<hbm>>
      %dma_start3A_46 = tpu.memref_slice %arg4[%add3A_43] : memref<196608xf32, #tpu.memory_space<hbm>> -> memref<2048xf32, #tpu.memory_space<hbm>>
      %dma_start3A_47 = arith.constant 4096 : i32
      %dma_start3A_48 = tpu.memref_slice %arg7[%dma_start3A_47] : memref<6144xf32, #tpu.memory_space<vmem>> -> memref<2048xf32, #tpu.memory_space<vmem>>
      tpu.enqueue_dma source(%dma_start3A_48 : memref<2048xf32, #tpu.memory_space<vmem>>) target(%dma_start3A_46 : memref<2048xf32, #tpu.memory_space<hbm>>) target_semaphore(%run_scoped3A : memref<!tpu.dma_semaphore, #tpu.memory_space<semaphore_mem>>)
      %dma_wait3A = arith.constant 4096 : i32
      %dma_wait3A_49 = tpu.memref_slice %arg7[%dma_wait3A] : memref<6144xf32, #tpu.memory_space<vmem>> -> memref<2048xf32, #tpu.memory_space<vmem>>
      %dma_wait3A_50 = tpu.memref_slice %arg4[%add3A_43] : memref<196608xf32, #tpu.memory_space<hbm>> -> memref<2048xf32, #tpu.memory_space<hbm>>
      %dma_wait3A_51 = tpu.memref_slice %arg4[%add3A_43] : memref<196608xf32, #tpu.memory_space<hbm>> -> memref<2048xf32, #tpu.memory_space<hbm>>
      %dma_wait3A_52 = arith.constant 4096 : i32
      %dma_wait3A_53 = tpu.memref_slice %arg7[%dma_wait3A_52] : memref<6144xf32, #tpu.memory_space<vmem>> -> memref<2048xf32, #tpu.memory_space<vmem>>
      tpu.wait_dma2 semaphore(%run_scoped3A : memref<!tpu.dma_semaphore, #tpu.memory_space<semaphore_mem>>) src(%dma_wait3A_53 : memref<2048xf32, #tpu.memory_space<vmem>>) dst(%dma_wait3A_51 : memref<2048xf32, #tpu.memory_space<hbm>>)
      tpu.yield
    }) : () -> ()
    return
  }
}

#map = affine_map<(d0, d1) -> (0)>
module attributes {stable_mosaic.version = 14 : i64} {
  func.func @scatter(%arg0: i32, %arg1: i32, %arg2: memref<3145728xi32, #tpu.memory_space<hbm>>, %arg3: memref<3145728xf32, #tpu.memory_space<hbm>>, %arg4: memref<3145728xf32, #tpu.memory_space<hbm>>, %arg5: memref<3145728xf32, #tpu.memory_space<hbm>>, %arg6: memref<65536xf32, #tpu.memory_space<hbm>>, %arg7: memref<393216xf32, #tpu.memory_space<hbm>>, %arg8: memref<8192xi32, #tpu.memory_space<vmem>>, %arg9: memref<8192xf32, #tpu.memory_space<vmem>>, %arg10: memref<8192xf32, #tpu.memory_space<vmem>>, %arg11: memref<8192xf32, #tpu.memory_space<vmem>>, %arg12: memref<65536xf32, #tpu.memory_space<vmem_shared>>, %arg13: memref<65536xf32, #tpu.memory_space<vmem_shared>>, %arg14: memref<65536xf32, #tpu.memory_space<vmem_shared>>) attributes {dimension_semantics = [#tpu.dimension_semantics<core_parallel>, #tpu.dimension_semantics<subcore_parallel>], iteration_bounds = array<i64: 2, 16>, scalar_prefetch = 0 : i64, scratch_operands = 7 : i64, tpu.core_type = #tpu.core_type<sc_vector_subcore>, window_params = [{transform_indices = #map}, {transform_indices = #map}, {transform_indices = #map}, {transform_indices = #map}, {transform_indices = #map}, {transform_indices = #map}]} {
    %mul3A = arith.constant 4096 : i32
    %mul3A_0 = arith.muli %arg1, %mul3A : i32
    %mul3A_1 = arith.constant 4096 : i32
    %mul3A_2 = arith.muli %arg1, %mul3A_1 : i32
    "tpu.region"() ({
      %run_scoped3A = tpu.sem_alloc : memref<!tpu.dma_semaphore, #tpu.memory_space<semaphore_mem>>
      %dma_start3A = tpu.memref_slice %arg12[%mul3A_2] : memref<65536xf32, #tpu.memory_space<vmem_shared>> -> memref<4096xf32, #tpu.memory_space<vmem_shared>>
      %dma_start3A_54 = tpu.memref_slice %arg6[%mul3A_0] : memref<65536xf32, #tpu.memory_space<hbm>> -> memref<4096xf32, #tpu.memory_space<hbm>>
      tpu.enqueue_dma source(%dma_start3A_54 : memref<4096xf32, #tpu.memory_space<hbm>>) target(%dma_start3A : memref<4096xf32, #tpu.memory_space<vmem_shared>>) target_semaphore(%run_scoped3A : memref<!tpu.dma_semaphore, #tpu.memory_space<semaphore_mem>>)
      %dma_wait3A = tpu.memref_slice %arg12[%mul3A_2] : memref<65536xf32, #tpu.memory_space<vmem_shared>> -> memref<4096xf32, #tpu.memory_space<vmem_shared>>
      %dma_wait3A_55 = tpu.memref_slice %arg6[%mul3A_0] : memref<65536xf32, #tpu.memory_space<hbm>> -> memref<4096xf32, #tpu.memory_space<hbm>>
      tpu.wait_dma2 semaphore(%run_scoped3A : memref<!tpu.dma_semaphore, #tpu.memory_space<semaphore_mem>>) src(%dma_wait3A_55 : memref<4096xf32, #tpu.memory_space<hbm>>) dst(%dma_wait3A : memref<4096xf32, #tpu.memory_space<vmem_shared>>)
      tpu.yield
    }) : () -> ()
    %mul3A_3 = arith.constant 4096 : i32
    %mul3A_4 = arith.muli %arg1, %mul3A_3 : i32
    %mul3A_5 = arith.constant 4096 : i32
    %mul3A_6 = arith.muli %arg1, %mul3A_5 : i32
    "tpu.region"() ({
      %run_scoped3A = tpu.sem_alloc : memref<!tpu.dma_semaphore, #tpu.memory_space<semaphore_mem>>
      %dma_start3A = tpu.memref_slice %arg13[%mul3A_6] : memref<65536xf32, #tpu.memory_space<vmem_shared>> -> memref<4096xf32, #tpu.memory_space<vmem_shared>>
      %dma_start3A_54 = tpu.memref_slice %arg6[%mul3A_4] : memref<65536xf32, #tpu.memory_space<hbm>> -> memref<4096xf32, #tpu.memory_space<hbm>>
      tpu.enqueue_dma source(%dma_start3A_54 : memref<4096xf32, #tpu.memory_space<hbm>>) target(%dma_start3A : memref<4096xf32, #tpu.memory_space<vmem_shared>>) target_semaphore(%run_scoped3A : memref<!tpu.dma_semaphore, #tpu.memory_space<semaphore_mem>>)
      %dma_wait3A = tpu.memref_slice %arg13[%mul3A_6] : memref<65536xf32, #tpu.memory_space<vmem_shared>> -> memref<4096xf32, #tpu.memory_space<vmem_shared>>
      %dma_wait3A_55 = tpu.memref_slice %arg6[%mul3A_4] : memref<65536xf32, #tpu.memory_space<hbm>> -> memref<4096xf32, #tpu.memory_space<hbm>>
      tpu.wait_dma2 semaphore(%run_scoped3A : memref<!tpu.dma_semaphore, #tpu.memory_space<semaphore_mem>>) src(%dma_wait3A_55 : memref<4096xf32, #tpu.memory_space<hbm>>) dst(%dma_wait3A : memref<4096xf32, #tpu.memory_space<vmem_shared>>)
      tpu.yield
    }) : () -> ()
    %mul3A_7 = arith.constant 4096 : i32
    %mul3A_8 = arith.muli %arg1, %mul3A_7 : i32
    %mul3A_9 = arith.constant 4096 : i32
    %mul3A_10 = arith.muli %arg1, %mul3A_9 : i32
    "tpu.region"() ({
      %run_scoped3A = tpu.sem_alloc : memref<!tpu.dma_semaphore, #tpu.memory_space<semaphore_mem>>
      %dma_start3A = tpu.memref_slice %arg14[%mul3A_10] : memref<65536xf32, #tpu.memory_space<vmem_shared>> -> memref<4096xf32, #tpu.memory_space<vmem_shared>>
      %dma_start3A_54 = tpu.memref_slice %arg6[%mul3A_8] : memref<65536xf32, #tpu.memory_space<hbm>> -> memref<4096xf32, #tpu.memory_space<hbm>>
      tpu.enqueue_dma source(%dma_start3A_54 : memref<4096xf32, #tpu.memory_space<hbm>>) target(%dma_start3A : memref<4096xf32, #tpu.memory_space<vmem_shared>>) target_semaphore(%run_scoped3A : memref<!tpu.dma_semaphore, #tpu.memory_space<semaphore_mem>>)
      %dma_wait3A = tpu.memref_slice %arg14[%mul3A_10] : memref<65536xf32, #tpu.memory_space<vmem_shared>> -> memref<4096xf32, #tpu.memory_space<vmem_shared>>
      %dma_wait3A_55 = tpu.memref_slice %arg6[%mul3A_8] : memref<65536xf32, #tpu.memory_space<hbm>> -> memref<4096xf32, #tpu.memory_space<hbm>>
      tpu.wait_dma2 semaphore(%run_scoped3A : memref<!tpu.dma_semaphore, #tpu.memory_space<semaphore_mem>>) src(%dma_wait3A_55 : memref<4096xf32, #tpu.memory_space<hbm>>) dst(%dma_wait3A : memref<4096xf32, #tpu.memory_space<vmem_shared>>)
      tpu.yield
    }) : () -> ()
    %barrier3A = arith.constant 0 : index
    tpu.barrier barrier_id(%barrier3A)
    %mul3A_11 = arith.constant 1572864 : i32
    %mul3A_12 = arith.muli %arg0, %mul3A_11 : i32
    %mul3A_13 = arith.constant 98304 : i32
    %mul3A_14 = arith.muli %arg1, %mul3A_13 : i32
    %add3A = arith.addi %mul3A_12, %mul3A_14 : i32
    %scan3A = arith.constant 0 : i32
    %scan3A_15 = arith.constant 0 : i32
    %scan3A_16 = arith.constant 12 : i32
    %scan3A_17 = arith.addi %scan3A_15, %scan3A_16 : i32
    %scan3A_18 = arith.constant 1 : i32
    scf.for %scan3A_54 = %scan3A_15 to %scan3A_17 step %scan3A_18  : i32 {
      %mul3A_55 = arith.constant 8192 : i32
      %mul3A_56 = arith.muli %scan3A_54, %mul3A_55 : i32
      %add3A_57 = arith.addi %add3A, %mul3A_56 : i32
      "tpu.region"() ({
        %run_scoped3A = tpu.sem_alloc : memref<!tpu.dma_semaphore, #tpu.memory_space<semaphore_mem>>
        %dma_start3A = tpu.memref_slice %arg2[%add3A_57] : memref<3145728xi32, #tpu.memory_space<hbm>> -> memref<8192xi32, #tpu.memory_space<hbm>>
        %dma_start3A_58 = tpu.memref_slice %arg2[%add3A_57] : memref<3145728xi32, #tpu.memory_space<hbm>> -> memref<8192xi32, #tpu.memory_space<hbm>>
        tpu.enqueue_dma source(%dma_start3A_58 : memref<8192xi32, #tpu.memory_space<hbm>>) target(%arg8 : memref<8192xi32, #tpu.memory_space<vmem>>) target_semaphore(%run_scoped3A : memref<!tpu.dma_semaphore, #tpu.memory_space<semaphore_mem>>)
        %dma_wait3A = tpu.memref_slice %arg2[%add3A_57] : memref<3145728xi32, #tpu.memory_space<hbm>> -> memref<8192xi32, #tpu.memory_space<hbm>>
        %dma_wait3A_59 = tpu.memref_slice %arg2[%add3A_57] : memref<3145728xi32, #tpu.memory_space<hbm>> -> memref<8192xi32, #tpu.memory_space<hbm>>
        tpu.wait_dma2 semaphore(%run_scoped3A : memref<!tpu.dma_semaphore, #tpu.memory_space<semaphore_mem>>) src(%dma_wait3A_59 : memref<8192xi32, #tpu.memory_space<hbm>>) dst(%arg8 : memref<8192xi32, #tpu.memory_space<vmem>>)
        tpu.yield
      }) : () -> ()
      "tpu.region"() ({
        %run_scoped3A = tpu.sem_alloc : memref<!tpu.dma_semaphore, #tpu.memory_space<semaphore_mem>>
        %dma_start3A = tpu.memref_slice %arg3[%add3A_57] : memref<3145728xf32, #tpu.memory_space<hbm>> -> memref<8192xf32, #tpu.memory_space<hbm>>
        %dma_start3A_58 = tpu.memref_slice %arg3[%add3A_57] : memref<3145728xf32, #tpu.memory_space<hbm>> -> memref<8192xf32, #tpu.memory_space<hbm>>
        tpu.enqueue_dma source(%dma_start3A_58 : memref<8192xf32, #tpu.memory_space<hbm>>) target(%arg9 : memref<8192xf32, #tpu.memory_space<vmem>>) target_semaphore(%run_scoped3A : memref<!tpu.dma_semaphore, #tpu.memory_space<semaphore_mem>>)
        %dma_wait3A = tpu.memref_slice %arg3[%add3A_57] : memref<3145728xf32, #tpu.memory_space<hbm>> -> memref<8192xf32, #tpu.memory_space<hbm>>
        %dma_wait3A_59 = tpu.memref_slice %arg3[%add3A_57] : memref<3145728xf32, #tpu.memory_space<hbm>> -> memref<8192xf32, #tpu.memory_space<hbm>>
        tpu.wait_dma2 semaphore(%run_scoped3A : memref<!tpu.dma_semaphore, #tpu.memory_space<semaphore_mem>>) src(%dma_wait3A_59 : memref<8192xf32, #tpu.memory_space<hbm>>) dst(%arg9 : memref<8192xf32, #tpu.memory_space<vmem>>)
        tpu.yield
      }) : () -> ()
      "tpu.region"() ({
        %run_scoped3A = tpu.sem_alloc : memref<!tpu.dma_semaphore, #tpu.memory_space<semaphore_mem>>
        %dma_start3A = tpu.memref_slice %arg4[%add3A_57] : memref<3145728xf32, #tpu.memory_space<hbm>> -> memref<8192xf32, #tpu.memory_space<hbm>>
        %dma_start3A_58 = tpu.memref_slice %arg4[%add3A_57] : memref<3145728xf32, #tpu.memory_space<hbm>> -> memref<8192xf32, #tpu.memory_space<hbm>>
        tpu.enqueue_dma source(%dma_start3A_58 : memref<8192xf32, #tpu.memory_space<hbm>>) target(%arg10 : memref<8192xf32, #tpu.memory_space<vmem>>) target_semaphore(%run_scoped3A : memref<!tpu.dma_semaphore, #tpu.memory_space<semaphore_mem>>)
        %dma_wait3A = tpu.memref_slice %arg4[%add3A_57] : memref<3145728xf32, #tpu.memory_space<hbm>> -> memref<8192xf32, #tpu.memory_space<hbm>>
        %dma_wait3A_59 = tpu.memref_slice %arg4[%add3A_57] : memref<3145728xf32, #tpu.memory_space<hbm>> -> memref<8192xf32, #tpu.memory_space<hbm>>
        tpu.wait_dma2 semaphore(%run_scoped3A : memref<!tpu.dma_semaphore, #tpu.memory_space<semaphore_mem>>) src(%dma_wait3A_59 : memref<8192xf32, #tpu.memory_space<hbm>>) dst(%arg10 : memref<8192xf32, #tpu.memory_space<vmem>>)
        tpu.yield
      }) : () -> ()
      "tpu.region"() ({
        %run_scoped3A = tpu.sem_alloc : memref<!tpu.dma_semaphore, #tpu.memory_space<semaphore_mem>>
        %dma_start3A = tpu.memref_slice %arg5[%add3A_57] : memref<3145728xf32, #tpu.memory_space<hbm>> -> memref<8192xf32, #tpu.memory_space<hbm>>
        %dma_start3A_58 = tpu.memref_slice %arg5[%add3A_57] : memref<3145728xf32, #tpu.memory_space<hbm>> -> memref<8192xf32, #tpu.memory_space<hbm>>
        tpu.enqueue_dma source(%dma_start3A_58 : memref<8192xf32, #tpu.memory_space<hbm>>) target(%arg11 : memref<8192xf32, #tpu.memory_space<vmem>>) target_semaphore(%run_scoped3A : memref<!tpu.dma_semaphore, #tpu.memory_space<semaphore_mem>>)
        %dma_wait3A = tpu.memref_slice %arg5[%add3A_57] : memref<3145728xf32, #tpu.memory_space<hbm>> -> memref<8192xf32, #tpu.memory_space<hbm>>
        %dma_wait3A_59 = tpu.memref_slice %arg5[%add3A_57] : memref<3145728xf32, #tpu.memory_space<hbm>> -> memref<8192xf32, #tpu.memory_space<hbm>>
        tpu.wait_dma2 semaphore(%run_scoped3A : memref<!tpu.dma_semaphore, #tpu.memory_space<semaphore_mem>>) src(%dma_wait3A_59 : memref<8192xf32, #tpu.memory_space<hbm>>) dst(%arg11 : memref<8192xf32, #tpu.memory_space<vmem>>)
        tpu.yield
      }) : () -> ()
      "tpu.region"() ({
        %run_scoped3A = tpu.sem_alloc : memref<!tpu.dma_semaphore, #tpu.memory_space<semaphore_mem>>
        %dma_start3A = arith.constant 0 : i32
        %dma_start3A_58 = tpu.memref_slice %arg12[%dma_start3A] : memref<65536xf32, #tpu.memory_space<vmem_shared>> -> memref<65536xf32, #tpu.memory_space<vmem_shared>>
        tpu.enqueue_indirect_dma source(%arg9 : memref<8192xf32, #tpu.memory_space<vmem>>) target(%dma_start3A_58 : memref<65536xf32, #tpu.memory_space<vmem_shared>>) offsets(%arg8 : memref<8192xi32, #tpu.memory_space<vmem>>) semaphore(%run_scoped3A : memref<!tpu.dma_semaphore, #tpu.memory_space<semaphore_mem>>) {add = true}
        %dma_wait3A = arith.constant 0 : i32
        %dma_wait3A_59 = tpu.memref_slice %arg12[%dma_wait3A] : memref<65536xf32, #tpu.memory_space<vmem_shared>> -> memref<65536xf32, #tpu.memory_space<vmem_shared>>
        tpu.wait_indirect_dma semaphore(%run_scoped3A : memref<!tpu.dma_semaphore, #tpu.memory_space<semaphore_mem>>) src(%arg9 : memref<8192xf32, #tpu.memory_space<vmem>>) dst(%dma_wait3A_59 : memref<65536xf32, #tpu.memory_space<vmem_shared>>)
        tpu.yield
      }) : () -> ()
      "tpu.region"() ({
        %run_scoped3A = tpu.sem_alloc : memref<!tpu.dma_semaphore, #tpu.memory_space<semaphore_mem>>
        %dma_start3A = arith.constant 0 : i32
        %dma_start3A_58 = tpu.memref_slice %arg13[%dma_start3A] : memref<65536xf32, #tpu.memory_space<vmem_shared>> -> memref<65536xf32, #tpu.memory_space<vmem_shared>>
        tpu.enqueue_indirect_dma source(%arg10 : memref<8192xf32, #tpu.memory_space<vmem>>) target(%dma_start3A_58 : memref<65536xf32, #tpu.memory_space<vmem_shared>>) offsets(%arg8 : memref<8192xi32, #tpu.memory_space<vmem>>) semaphore(%run_scoped3A : memref<!tpu.dma_semaphore, #tpu.memory_space<semaphore_mem>>) {add = true}
        %dma_wait3A = arith.constant 0 : i32
        %dma_wait3A_59 = tpu.memref_slice %arg13[%dma_wait3A] : memref<65536xf32, #tpu.memory_space<vmem_shared>> -> memref<65536xf32, #tpu.memory_space<vmem_shared>>
        tpu.wait_indirect_dma semaphore(%run_scoped3A : memref<!tpu.dma_semaphore, #tpu.memory_space<semaphore_mem>>) src(%arg10 : memref<8192xf32, #tpu.memory_space<vmem>>) dst(%dma_wait3A_59 : memref<65536xf32, #tpu.memory_space<vmem_shared>>)
        tpu.yield
      }) : () -> ()
      "tpu.region"() ({
        %run_scoped3A = tpu.sem_alloc : memref<!tpu.dma_semaphore, #tpu.memory_space<semaphore_mem>>
        %dma_start3A = arith.constant 0 : i32
        %dma_start3A_58 = tpu.memref_slice %arg14[%dma_start3A] : memref<65536xf32, #tpu.memory_space<vmem_shared>> -> memref<65536xf32, #tpu.memory_space<vmem_shared>>
        tpu.enqueue_indirect_dma source(%arg11 : memref<8192xf32, #tpu.memory_space<vmem>>) target(%dma_start3A_58 : memref<65536xf32, #tpu.memory_space<vmem_shared>>) offsets(%arg8 : memref<8192xi32, #tpu.memory_space<vmem>>) semaphore(%run_scoped3A : memref<!tpu.dma_semaphore, #tpu.memory_space<semaphore_mem>>) {add = true}
        %dma_wait3A = arith.constant 0 : i32
        %dma_wait3A_59 = tpu.memref_slice %arg14[%dma_wait3A] : memref<65536xf32, #tpu.memory_space<vmem_shared>> -> memref<65536xf32, #tpu.memory_space<vmem_shared>>
        tpu.wait_indirect_dma semaphore(%run_scoped3A : memref<!tpu.dma_semaphore, #tpu.memory_space<semaphore_mem>>) src(%arg11 : memref<8192xf32, #tpu.memory_space<vmem>>) dst(%dma_wait3A_59 : memref<65536xf32, #tpu.memory_space<vmem_shared>>)
        tpu.yield
      }) : () -> ()
    }
    %scan3A_19 = arith.constant 12 : i32
    %barrier3A_20 = arith.constant 0 : index
    tpu.barrier barrier_id(%barrier3A_20)
    %mul3A_21 = arith.constant 4096 : i32
    %mul3A_22 = arith.muli %arg1, %mul3A_21 : i32
    %mul3A_23 = arith.constant 3 : i32
    %mul3A_24 = arith.muli %arg0, %mul3A_23 : i32
    %add3A_25 = arith.constant 0 : i32
    %add3A_26 = arith.addi %mul3A_24, %add3A_25 : i32
    %mul3A_27 = arith.constant 65536 : i32
    %mul3A_28 = arith.muli %add3A_26, %mul3A_27 : i32
    %mul3A_29 = arith.constant 4096 : i32
    %mul3A_30 = arith.muli %arg1, %mul3A_29 : i32
    %add3A_31 = arith.addi %mul3A_28, %mul3A_30 : i32
    "tpu.region"() ({
      %run_scoped3A = tpu.sem_alloc : memref<!tpu.dma_semaphore, #tpu.memory_space<semaphore_mem>>
      %dma_start3A = tpu.memref_slice %arg7[%add3A_31] : memref<393216xf32, #tpu.memory_space<hbm>> -> memref<4096xf32, #tpu.memory_space<hbm>>
      %dma_start3A_54 = tpu.memref_slice %arg12[%mul3A_22] : memref<65536xf32, #tpu.memory_space<vmem_shared>> -> memref<4096xf32, #tpu.memory_space<vmem_shared>>
      tpu.enqueue_dma source(%dma_start3A_54 : memref<4096xf32, #tpu.memory_space<vmem_shared>>) target(%dma_start3A : memref<4096xf32, #tpu.memory_space<hbm>>) target_semaphore(%run_scoped3A : memref<!tpu.dma_semaphore, #tpu.memory_space<semaphore_mem>>)
      %dma_wait3A = tpu.memref_slice %arg7[%add3A_31] : memref<393216xf32, #tpu.memory_space<hbm>> -> memref<4096xf32, #tpu.memory_space<hbm>>
      %dma_wait3A_55 = tpu.memref_slice %arg12[%mul3A_22] : memref<65536xf32, #tpu.memory_space<vmem_shared>> -> memref<4096xf32, #tpu.memory_space<vmem_shared>>
      tpu.wait_dma2 semaphore(%run_scoped3A : memref<!tpu.dma_semaphore, #tpu.memory_space<semaphore_mem>>) src(%dma_wait3A_55 : memref<4096xf32, #tpu.memory_space<vmem_shared>>) dst(%dma_wait3A : memref<4096xf32, #tpu.memory_space<hbm>>)
      tpu.yield
    }) : () -> ()
    %mul3A_32 = arith.constant 4096 : i32
    %mul3A_33 = arith.muli %arg1, %mul3A_32 : i32
    %mul3A_34 = arith.constant 3 : i32
    %mul3A_35 = arith.muli %arg0, %mul3A_34 : i32
    %add3A_36 = arith.constant 1 : i32
    %add3A_37 = arith.addi %mul3A_35, %add3A_36 : i32
    %mul3A_38 = arith.constant 65536 : i32
    %mul3A_39 = arith.muli %add3A_37, %mul3A_38 : i32
    %mul3A_40 = arith.constant 4096 : i32
    %mul3A_41 = arith.muli %arg1, %mul3A_40 : i32
    %add3A_42 = arith.addi %mul3A_39, %mul3A_41 : i32
    "tpu.region"() ({
      %run_scoped3A = tpu.sem_alloc : memref<!tpu.dma_semaphore, #tpu.memory_space<semaphore_mem>>
      %dma_start3A = tpu.memref_slice %arg7[%add3A_42] : memref<393216xf32, #tpu.memory_space<hbm>> -> memref<4096xf32, #tpu.memory_space<hbm>>
      %dma_start3A_54 = tpu.memref_slice %arg13[%mul3A_33] : memref<65536xf32, #tpu.memory_space<vmem_shared>> -> memref<4096xf32, #tpu.memory_space<vmem_shared>>
      tpu.enqueue_dma source(%dma_start3A_54 : memref<4096xf32, #tpu.memory_space<vmem_shared>>) target(%dma_start3A : memref<4096xf32, #tpu.memory_space<hbm>>) target_semaphore(%run_scoped3A : memref<!tpu.dma_semaphore, #tpu.memory_space<semaphore_mem>>)
      %dma_wait3A = tpu.memref_slice %arg7[%add3A_42] : memref<393216xf32, #tpu.memory_space<hbm>> -> memref<4096xf32, #tpu.memory_space<hbm>>
      %dma_wait3A_55 = tpu.memref_slice %arg13[%mul3A_33] : memref<65536xf32, #tpu.memory_space<vmem_shared>> -> memref<4096xf32, #tpu.memory_space<vmem_shared>>
      tpu.wait_dma2 semaphore(%run_scoped3A : memref<!tpu.dma_semaphore, #tpu.memory_space<semaphore_mem>>) src(%dma_wait3A_55 : memref<4096xf32, #tpu.memory_space<vmem_shared>>) dst(%dma_wait3A : memref<4096xf32, #tpu.memory_space<hbm>>)
      tpu.yield
    }) : () -> ()
    %mul3A_43 = arith.constant 4096 : i32
    %mul3A_44 = arith.muli %arg1, %mul3A_43 : i32
    %mul3A_45 = arith.constant 3 : i32
    %mul3A_46 = arith.muli %arg0, %mul3A_45 : i32
    %add3A_47 = arith.constant 2 : i32
    %add3A_48 = arith.addi %mul3A_46, %add3A_47 : i32
    %mul3A_49 = arith.constant 65536 : i32
    %mul3A_50 = arith.muli %add3A_48, %mul3A_49 : i32
    %mul3A_51 = arith.constant 4096 : i32
    %mul3A_52 = arith.muli %arg1, %mul3A_51 : i32
    %add3A_53 = arith.addi %mul3A_50, %mul3A_52 : i32
    "tpu.region"() ({
      %run_scoped3A = tpu.sem_alloc : memref<!tpu.dma_semaphore, #tpu.memory_space<semaphore_mem>>
      %dma_start3A = tpu.memref_slice %arg7[%add3A_53] : memref<393216xf32, #tpu.memory_space<hbm>> -> memref<4096xf32, #tpu.memory_space<hbm>>
      %dma_start3A_54 = tpu.memref_slice %arg14[%mul3A_44] : memref<65536xf32, #tpu.memory_space<vmem_shared>> -> memref<4096xf32, #tpu.memory_space<vmem_shared>>
      tpu.enqueue_dma source(%dma_start3A_54 : memref<4096xf32, #tpu.memory_space<vmem_shared>>) target(%dma_start3A : memref<4096xf32, #tpu.memory_space<hbm>>) target_semaphore(%run_scoped3A : memref<!tpu.dma_semaphore, #tpu.memory_space<semaphore_mem>>)
      %dma_wait3A = tpu.memref_slice %arg7[%add3A_53] : memref<393216xf32, #tpu.memory_space<hbm>> -> memref<4096xf32, #tpu.memory_space<hbm>>
      %dma_wait3A_55 = tpu.memref_slice %arg14[%mul3A_44] : memref<65536xf32, #tpu.memory_space<vmem_shared>> -> memref<4096xf32, #tpu.memory_space<vmem_shared>>
      tpu.wait_dma2 semaphore(%run_scoped3A : memref<!tpu.dma_semaphore, #tpu.memory_space<semaphore_mem>>) src(%dma_wait3A_55 : memref<4096xf32, #tpu.memory_space<vmem_shared>>) dst(%dma_wait3A : memref<4096xf32, #tpu.memory_space<hbm>>)
      tpu.yield
    }) : () -> ()
    return
  }
}

module attributes {stable_mosaic.version = 14 : i64} {
  func.func @_transform_body(%arg0: i32, %arg1: memref<3x512xf32, #tpu.memory_space<vmem>>, %arg2: memref<1x3x24xf32, #tpu.memory_space<vmem>>, %arg3: memref<1x144x24xf32, #tpu.memory_space<vmem>>, %arg4: memref<144x512xf32, #tpu.memory_space<vmem>>) attributes {dimension_semantics = [#tpu.dimension_semantics<arbitrary>], iteration_bounds = array<i64: 128>, scalar_prefetch = 0 : i64, scratch_operands = 0 : i64, tpu.core_type = #tpu.core_type<tc>, window_params = [{transform_indices = @transform_0, window_bounds = array<i64: 3, 512>}, {transform_indices = @transform_1, window_bounds = array<i64: 1, 3, 24>}, {transform_indices = @transform_2, window_bounds = array<i64: 1, 144, 24>}, {transform_indices = @transform_3, window_bounds = array<i64: 144, 512>}]} {
    %get3A = arith.constant 0 : index
    %get3A_0 = arith.constant 0 : index
    %get3A_1 = vector.load %arg1[%get3A, %get3A_0] : memref<3x512xf32, #tpu.memory_space<vmem>>, vector<3x512xf32>
    %concatenate3A = tpu.concatenate %get3A_1, %get3A_1, %get3A_1, %get3A_1, %get3A_1, %get3A_1, %get3A_1, %get3A_1 in 0 : vector<3x512xf32>, vector<3x512xf32>, vector<3x512xf32>, vector<3x512xf32>, vector<3x512xf32>, vector<3x512xf32>, vector<3x512xf32>, vector<3x512xf32> -> vector<24x512xf32>
    %iota3A = tpu.iota {dimensions = array<i32: 0>} : vector<24x512xi32>
    %iota3A_2 = tpu.iota {dimensions = array<i32: 1>} : vector<24x512xi32>
    %jit3A = arith.constant 3 : i32
    %div3A = vector.broadcast %jit3A : i32 to vector<24x512xi32>
    %div3A_3 = arith.divsi %iota3A, %div3A : vector<24x512xi32>
    %sign3A = arith.constant 0 : i32
    %sign3A_4 = vector.broadcast %sign3A : i32 to vector<24x512xi32>
    %sign3A_5 = arith.cmpi sgt, %iota3A, %sign3A_4 : vector<24x512xi32>
    %sign3A_6 = arith.extui %sign3A_5 : vector<24x512xi1> to vector<24x512xi32>
    %sign3A_7 = arith.constant 0 : i32
    %sign3A_8 = vector.broadcast %sign3A_7 : i32 to vector<24x512xi32>
    %sign3A_9 = arith.cmpi slt, %iota3A, %sign3A_8 : vector<24x512xi32>
    %sign3A_10 = arith.extui %sign3A_9 : vector<24x512xi1> to vector<24x512xi32>
    %sign3A_11 = arith.subi %sign3A_6, %sign3A_10 : vector<24x512xi32>
    %sign3A_12 = arith.constant 0 : i32
    %sign3A_13 = arith.cmpi sgt, %jit3A, %sign3A_12 : i32
    %sign3A_14 = arith.extui %sign3A_13 : i1 to i32
    %sign3A_15 = arith.constant 0 : i32
    %sign3A_16 = arith.cmpi slt, %jit3A, %sign3A_15 : i32
    %sign3A_17 = arith.extui %sign3A_16 : i1 to i32
    %sign3A_18 = arith.subi %sign3A_14, %sign3A_17 : i32
    %ne3A = vector.broadcast %sign3A_18 : i32 to vector<24x512xi32>
    %ne3A_19 = arith.cmpi ne, %sign3A_11, %ne3A : vector<24x512xi32>
    %rem3A = vector.broadcast %jit3A : i32 to vector<24x512xi32>
    %rem3A_20 = arith.remsi %iota3A, %rem3A : vector<24x512xi32>
    %ne3A_21 = arith.constant 0 : i32
    %ne3A_22 = vector.broadcast %ne3A_21 : i32 to vector<24x512xi32>
    %ne3A_23 = arith.cmpi ne, %rem3A_20, %ne3A_22 : vector<24x512xi32>
    %and3A = arith.andi %ne3A_19, %ne3A_23 : vector<24x512xi1>
    %sub3A = arith.constant 1 : i32
    %sub3A_24 = vector.broadcast %sub3A : i32 to vector<24x512xi32>
    %sub3A_25 = arith.subi %div3A_3, %sub3A_24 : vector<24x512xi32>
    %select_n3A = arith.select %and3A, %sub3A_25, %div3A_3 : vector<24x512xi1>, vector<24x512xi32>
    %jit3A_26 = arith.constant 64 : i32
    %div3A_27 = vector.broadcast %jit3A_26 : i32 to vector<24x512xi32>
    %div3A_28 = arith.divsi %iota3A_2, %div3A_27 : vector<24x512xi32>
    %sign3A_29 = arith.constant 0 : i32
    %sign3A_30 = vector.broadcast %sign3A_29 : i32 to vector<24x512xi32>
    %sign3A_31 = arith.cmpi sgt, %iota3A_2, %sign3A_30 : vector<24x512xi32>
    %sign3A_32 = arith.extui %sign3A_31 : vector<24x512xi1> to vector<24x512xi32>
    %sign3A_33 = arith.constant 0 : i32
    %sign3A_34 = vector.broadcast %sign3A_33 : i32 to vector<24x512xi32>
    %sign3A_35 = arith.cmpi slt, %iota3A_2, %sign3A_34 : vector<24x512xi32>
    %sign3A_36 = arith.extui %sign3A_35 : vector<24x512xi1> to vector<24x512xi32>
    %sign3A_37 = arith.subi %sign3A_32, %sign3A_36 : vector<24x512xi32>
    %sign3A_38 = arith.constant 0 : i32
    %sign3A_39 = arith.cmpi sgt, %jit3A_26, %sign3A_38 : i32
    %sign3A_40 = arith.extui %sign3A_39 : i1 to i32
    %sign3A_41 = arith.constant 0 : i32
    %sign3A_42 = arith.cmpi slt, %jit3A_26, %sign3A_41 : i32
    %sign3A_43 = arith.extui %sign3A_42 : i1 to i32
    %sign3A_44 = arith.subi %sign3A_40, %sign3A_43 : i32
    %ne3A_45 = vector.broadcast %sign3A_44 : i32 to vector<24x512xi32>
    %ne3A_46 = arith.cmpi ne, %sign3A_37, %ne3A_45 : vector<24x512xi32>
    %rem3A_47 = vector.broadcast %jit3A_26 : i32 to vector<24x512xi32>
    %rem3A_48 = arith.remsi %iota3A_2, %rem3A_47 : vector<24x512xi32>
    %ne3A_49 = arith.constant 0 : i32
    %ne3A_50 = vector.broadcast %ne3A_49 : i32 to vector<24x512xi32>
    %ne3A_51 = arith.cmpi ne, %rem3A_48, %ne3A_50 : vector<24x512xi32>
    %and3A_52 = arith.andi %ne3A_46, %ne3A_51 : vector<24x512xi1>
    %sub3A_53 = arith.constant 1 : i32
    %sub3A_54 = vector.broadcast %sub3A_53 : i32 to vector<24x512xi32>
    %sub3A_55 = arith.subi %div3A_28, %sub3A_54 : vector<24x512xi32>
    %select_n3A_56 = arith.select %and3A_52, %sub3A_55, %div3A_28 : vector<24x512xi1>, vector<24x512xi32>
    %eq3A = arith.cmpi eq, %select_n3A, %select_n3A_56 : vector<24x512xi32>
    %jit3A_57 = arith.constant 0.000000e+00 : f32
    %broadcast_in_dim3A = vector.broadcast %jit3A_57 : f32 to vector<24x512xf32>
    %select_n3A_58 = arith.select %eq3A, %concatenate3A, %broadcast_in_dim3A : vector<24x512xi1>, vector<24x512xf32>
    %get3A_59 = arith.constant 0 : index
    %get3A_60 = arith.constant 0 : index
    %get3A_61 = arith.constant 0 : index
    %get3A_62 = vector.load %arg2[%get3A_59, %get3A_60, %get3A_61] : memref<1x3x24xf32, #tpu.memory_space<vmem>>, vector<1x3x24xf32>
    %get3A_63 = vector.shape_cast %get3A_62 : vector<1x3x24xf32> to vector<3x24xf32>
    %concatenate3A_64 = tpu.concatenate %get3A_63, %get3A_63, %get3A_63, %get3A_63, %get3A_63, %get3A_63, %get3A_63, %get3A_63 in 0 : vector<3x24xf32>, vector<3x24xf32>, vector<3x24xf32>, vector<3x24xf32>, vector<3x24xf32>, vector<3x24xf32>, vector<3x24xf32>, vector<3x24xf32> -> vector<24x24xf32>
    %iota3A_65 = tpu.iota {dimensions = array<i32: 0>} : vector<24x24xi32>
    %iota3A_66 = tpu.iota {dimensions = array<i32: 1>} : vector<24x24xi32>
    %jit3A_67 = arith.constant 3 : i32
    %div3A_68 = vector.broadcast %jit3A_67 : i32 to vector<24x24xi32>
    %div3A_69 = arith.divsi %iota3A_65, %div3A_68 : vector<24x24xi32>
    %sign3A_70 = arith.constant 0 : i32
    %sign3A_71 = vector.broadcast %sign3A_70 : i32 to vector<24x24xi32>
    %sign3A_72 = arith.cmpi sgt, %iota3A_65, %sign3A_71 : vector<24x24xi32>
    %sign3A_73 = arith.extui %sign3A_72 : vector<24x24xi1> to vector<24x24xi32>
    %sign3A_74 = arith.constant 0 : i32
    %sign3A_75 = vector.broadcast %sign3A_74 : i32 to vector<24x24xi32>
    %sign3A_76 = arith.cmpi slt, %iota3A_65, %sign3A_75 : vector<24x24xi32>
    %sign3A_77 = arith.extui %sign3A_76 : vector<24x24xi1> to vector<24x24xi32>
    %sign3A_78 = arith.subi %sign3A_73, %sign3A_77 : vector<24x24xi32>
    %sign3A_79 = arith.constant 0 : i32
    %sign3A_80 = arith.cmpi sgt, %jit3A_67, %sign3A_79 : i32
    %sign3A_81 = arith.extui %sign3A_80 : i1 to i32
    %sign3A_82 = arith.constant 0 : i32
    %sign3A_83 = arith.cmpi slt, %jit3A_67, %sign3A_82 : i32
    %sign3A_84 = arith.extui %sign3A_83 : i1 to i32
    %sign3A_85 = arith.subi %sign3A_81, %sign3A_84 : i32
    %ne3A_86 = vector.broadcast %sign3A_85 : i32 to vector<24x24xi32>
    %ne3A_87 = arith.cmpi ne, %sign3A_78, %ne3A_86 : vector<24x24xi32>
    %rem3A_88 = vector.broadcast %jit3A_67 : i32 to vector<24x24xi32>
    %rem3A_89 = arith.remsi %iota3A_65, %rem3A_88 : vector<24x24xi32>
    %ne3A_90 = arith.constant 0 : i32
    %ne3A_91 = vector.broadcast %ne3A_90 : i32 to vector<24x24xi32>
    %ne3A_92 = arith.cmpi ne, %rem3A_89, %ne3A_91 : vector<24x24xi32>
    %and3A_93 = arith.andi %ne3A_87, %ne3A_92 : vector<24x24xi1>
    %sub3A_94 = arith.constant 1 : i32
    %sub3A_95 = vector.broadcast %sub3A_94 : i32 to vector<24x24xi32>
    %sub3A_96 = arith.subi %div3A_69, %sub3A_95 : vector<24x24xi32>
    %select_n3A_97 = arith.select %and3A_93, %sub3A_96, %div3A_69 : vector<24x24xi1>, vector<24x24xi32>
    %jit3A_98 = arith.constant 3 : i32
    %div3A_99 = vector.broadcast %jit3A_98 : i32 to vector<24x24xi32>
    %div3A_100 = arith.divsi %iota3A_66, %div3A_99 : vector<24x24xi32>
    %sign3A_101 = arith.constant 0 : i32
    %sign3A_102 = vector.broadcast %sign3A_101 : i32 to vector<24x24xi32>
    %sign3A_103 = arith.cmpi sgt, %iota3A_66, %sign3A_102 : vector<24x24xi32>
    %sign3A_104 = arith.extui %sign3A_103 : vector<24x24xi1> to vector<24x24xi32>
    %sign3A_105 = arith.constant 0 : i32
    %sign3A_106 = vector.broadcast %sign3A_105 : i32 to vector<24x24xi32>
    %sign3A_107 = arith.cmpi slt, %iota3A_66, %sign3A_106 : vector<24x24xi32>
    %sign3A_108 = arith.extui %sign3A_107 : vector<24x24xi1> to vector<24x24xi32>
    %sign3A_109 = arith.subi %sign3A_104, %sign3A_108 : vector<24x24xi32>
    %sign3A_110 = arith.constant 0 : i32
    %sign3A_111 = arith.cmpi sgt, %jit3A_98, %sign3A_110 : i32
    %sign3A_112 = arith.extui %sign3A_111 : i1 to i32
    %sign3A_113 = arith.constant 0 : i32
    %sign3A_114 = arith.cmpi slt, %jit3A_98, %sign3A_113 : i32
    %sign3A_115 = arith.extui %sign3A_114 : i1 to i32
    %sign3A_116 = arith.subi %sign3A_112, %sign3A_115 : i32
    %ne3A_117 = vector.broadcast %sign3A_116 : i32 to vector<24x24xi32>
    %ne3A_118 = arith.cmpi ne, %sign3A_109, %ne3A_117 : vector<24x24xi32>
    %rem3A_119 = vector.broadcast %jit3A_98 : i32 to vector<24x24xi32>
    %rem3A_120 = arith.remsi %iota3A_66, %rem3A_119 : vector<24x24xi32>
    %ne3A_121 = arith.constant 0 : i32
    %ne3A_122 = vector.broadcast %ne3A_121 : i32 to vector<24x24xi32>
    %ne3A_123 = arith.cmpi ne, %rem3A_120, %ne3A_122 : vector<24x24xi32>
    %and3A_124 = arith.andi %ne3A_118, %ne3A_123 : vector<24x24xi1>
    %sub3A_125 = arith.constant 1 : i32
    %sub3A_126 = vector.broadcast %sub3A_125 : i32 to vector<24x24xi32>
    %sub3A_127 = arith.subi %div3A_100, %sub3A_126 : vector<24x24xi32>
    %select_n3A_128 = arith.select %and3A_124, %sub3A_127, %div3A_100 : vector<24x24xi1>, vector<24x24xi32>
    %eq3A_129 = arith.cmpi eq, %select_n3A_97, %select_n3A_128 : vector<24x24xi32>
    %jit3A_130 = arith.constant 0.000000e+00 : f32
    %broadcast_in_dim3A_131 = vector.broadcast %jit3A_130 : f32 to vector<24x24xf32>
    %select_n3A_132 = arith.select %eq3A_129, %concatenate3A_64, %broadcast_in_dim3A_131 : vector<24x24xi1>, vector<24x24xf32>
    %get3A_133 = arith.constant 0 : index
    %get3A_134 = arith.constant 0 : index
    %get3A_135 = arith.constant 0 : index
    %get3A_136 = vector.load %arg3[%get3A_133, %get3A_134, %get3A_135] : memref<1x144x24xf32, #tpu.memory_space<vmem>>, vector<1x144x24xf32>
    %get3A_137 = vector.shape_cast %get3A_136 : vector<1x144x24xf32> to vector<144x24xf32>
    %dot_general3A = arith.constant dense<0.000000e+00> : vector<144x24xf32>
    %dot_general3A_138 = tpu.matmul %get3A_137, %select_n3A_132, %dot_general3A {dimension_numbers = #tpu.dot_dimension_numbers<[1], [0], [0], [1], [0, 0, 1, 1], [], []>, precision = #tpu.contract_precision<fp32>, transpose_lhs_hint = false} : vector<144x24xf32>, vector<24x24xf32>, vector<144x24xf32> -> vector<144x24xf32>
    %dot_general3A_139 = arith.constant dense<0.000000e+00> : vector<144x512xf32>
    %dot_general3A_140 = tpu.matmul %dot_general3A_138, %select_n3A_58, %dot_general3A_139 {dimension_numbers = #tpu.dot_dimension_numbers<[1], [0], [0], [1], [0, 0, 1, 1], [], []>, precision = #tpu.contract_precision<fp32>, transpose_lhs_hint = false} : vector<144x24xf32>, vector<24x512xf32>, vector<144x512xf32> -> vector<144x512xf32>
    %swap3A = arith.constant 0 : index
    %swap3A_141 = arith.constant 0 : index
    %swap3A_142 = vector.load %arg4[%swap3A, %swap3A_141] : memref<144x512xf32, #tpu.memory_space<vmem>>, vector<144x512xf32>
    tpu.vector_store %arg4[%swap3A, %swap3A_141], %dot_general3A_140 {strides = array<i32>} : memref<144x512xf32, #tpu.memory_space<vmem>>, vector<144x512xf32>,
    return
  }
  func.func @transform_0(%arg0: i32) -> (i32, i32) {
    %c0_i32 = arith.constant 0 : i32
    %c0_i32_0 = arith.constant 0 : i32
    return %c0_i32, %arg0 : i32, i32
  }
  func.func @transform_1(%arg0: i32) -> (i32, i32, i32) {
    %c0_i32 = arith.constant 0 : i32
    %c0_i32_0 = arith.constant 0 : i32
    %c0_i32_1 = arith.constant 0 : i32
    return %arg0, %c0_i32, %c0_i32_0 : i32, i32, i32
  }
  func.func @transform_2(%arg0: i32) -> (i32, i32, i32) {
    %c0_i32 = arith.constant 0 : i32
    %c0_i32_0 = arith.constant 0 : i32
    %c0_i32_1 = arith.constant 0 : i32
    return %arg0, %c0_i32, %c0_i32_0 : i32, i32, i32
  }
  func.func @transform_3(%arg0: i32) -> (i32, i32) {
    %c0_i32 = arith.constant 0 : i32
    %c0_i32_0 = arith.constant 0 : i32
    return %c0_i32, %arg0 : i32, i32
  }
}

</mosaic_0001>

<sc_bundles>
// kernel: kernel.5.cloned.1.call-start
scs
__scs_entry_jumppad:
0x0: {  	(pc) =	sbr.rel $0x88, $3  }
0x1: {  	(tag) =	ssettag $0x0;
	lr =	simm.s32 $0x1  }
0x2: {  	[smem:$0x3F9B] =	sst lr;
	_ =	strace $0xD0000000  }
0x3: {  	_ = 	snop  }
0x4: {  	_ = 	snop  }
0x5: {  	_ = 	snop  }
0x6: {  	_ = 	snop  }
0x7: {  	_ = 	snop  }
__scs_overlays_trampoline_lowered:
0x8: {  	[smem:$0x3FAA] =	sst s0  }
0x9: {  	[smem:$0x3FAB] =	sst s1  }
0xa: {  	[smem:$0x3FAC] =	sst s2  }
0xb: {  	[smem:$0x3FAD] =	sst s3  }
0xc: {  	[smem:$0x3FAE] =	sst s4  }
0xd: {  	[smem:$0x3FAF] =	sst s5  }
0xe: {  	[smem:$0x3FB0] =	sst s6  }
0xf: {  	[smem:$0x3FB1] =	sst s7  }
0x10: {  	[smem:$0x3FB2] =	sst s8  }
0x11: {  	[smem:$0x3FB3] =	sst s9;
	s0 =	simm.s32 @!p0 $0x0  }
0x12: {  	s1 =	sld [smem:$0x3F99];
	s0 =	simm.s32 @p0 $0x1  }
0x13: {  	[smem:$0x3FB4] =	sst s0;
	s0 =	simm.s32 @!p1 $0x0  }
0x14: {  	s2 =	sld [smem:$0x3F98];
	s0 =	simm.s32 @p1 $0x1  }
0x15: {  	[smem:$0x3FB5] =	sst s0;
	s0 =	simm.s32 @!p2 $0x0  }
0x16: {  	s3 =	sld [smem:$0x3FDB];
	s0 =	simm.s32 @p2 $0x1  }
0x17: {  	s4 =	simm.s32 $0x1BF5;
	[smem:$0x3FB7] =	sst s0  }
0x18: {  	s0 =	sld [smem:$0x3F9A];
	_ =	swait.ge [sflag:s4], $0x0  }
0x19: {  	s7 =	sld [smem:$0x3F9B]  }
0x1a: {  	s8 =	sadd.s32 $0xFFFFE003, lr  }
0x1b: {  	s9 =	sadd.s32 $0xFFFFFEF7, lr;
	s5 =	simm.s32 $0xFFFFFFFF;
	p2 =	slt.u32 s8, $0xFFFFF086  }
0x1c: {  	p1 =	slt.u32 s9, $0xF7A;
	s5 =	simm.s32 @!p2 $0x0  }
0x1d: {  	s5 =	simm.s32 @p1 $0x1;
	p0 =	seq.s32 s7, s2  }
0x1e: {  	s7 =	smul.u32 @!p0 $0xF7A, s2;
	p2 =	seq.s32 @!p0 s5, $0x0  }
0x1f: {  	s9 =	smul.u32 $0xF7A, s1;
	s8 =	simm.s32 @!p0 $0x1BF5;
	p2 =	por !p2, p0  }
0x20: {  	[sflag:s8] =	ssyncset.s32 @!p0 $0xFFFFF086;
	s6 =	sadd.s32 @!p0 s3, s7;
	s7 =	simm.s32 @!p0 $0x108  }
0x21: {  	s3 =	sadd.s32 s3, s9;
	s6 =	sadd.s32 @!p0 $0x88, s6;
	s7 =	simm.s32 @p2 $0x1082  }
0x22: {  	[simem:s7], [sflag:s8] =	dma.local @!p0 [hbm:s6], $0xF7A  }
0x23: {  	s9 =	sor.u32 $0xD0000000, s2;
	s6 =	simm.s32 $0x108;
	_ =	swait.ge @!p0 [sflag:s8], $0x0  }
0x24: {  	s3 =	sadd.s32 $0x88, s3;
	s6 =	simm.s32 @!p1 $0x1082;
	[sflag:s4] =	ssyncset.s32 $0xFFFFF086  }
0x25: {  	[simem:s6], [sflag:s4] =	dma.local [hbm:s3], $0xF7A  }
0x26: {  	[smem:$0x3F9B] =	sst s1;
	(tag) =	ssettag s2;
	_ =	strace s9  }
0x27: {  	s1 =	sld [smem:$0x3FAB]  }
0x28: {  	s2 =	sld [smem:$0x3FAC]  }
0x29: {  	s4 =	sld [smem:$0x3FAE]  }
0x2a: {  	p0 =	seq.s32 s5, $0x0;
	s5 =	sld [smem:$0x3FAF]  }
0x2b: {  	s6 =	sld [smem:$0x3FB0]  }
0x2c: {  	s7 =	sld [smem:$0x3FB1]  }
0x2d: {  	s3 =	simm.s32 $0x108;
	s8 =	sld [smem:$0x3FB2]  }
0x2e: {  	s3 =	simm.s32 @!p0 $0x1082;
	s9 =	sld [smem:$0x3FB3]  }
0x2f: {  	lr =	sadd.s32 s0, s3;
	s0 =	sld [smem:$0x3FAA]  }
0x30: {  	s3 =	sld [smem:$0x3FAD]  }
0x31: {  	[smem:$0x3FB6] =	sst s10  }
0x32: {  	s10 =	sld [smem:$0x3FB4];
	_ =	sdelay $0x3  }
0x33: {  	p0 =	seq.s32 s10, $0x1;
	s10 =	sld [smem:$0x3FB6];
	_ =	sdelay $0x3  }
0x34: {  	[smem:$0x3FB6] =	sst s10  }
0x35: {  	s10 =	sld [smem:$0x3FB5];
	_ =	sdelay $0x3  }
0x36: {  	p1 =	seq.s32 s10, $0x1;
	s10 =	sld [smem:$0x3FB6];
	_ =	sdelay $0x3  }
0x37: {  	[smem:$0x3FB6] =	sst s10  }
0x38: {  	s10 =	sld [smem:$0x3FB7]  }
0x39: {  	_ = 	snop;
	(pc) =	sbr.ind lr, $3  }
0x3a: {  	_ = 	snop  }
0x3b: {  	_ = 	snop  }
0x3c: {  	p2 =	seq.s32 s10, $0x1;
	s10 =	sld [smem:$0x3FB6]  }
0x3d: {  	_ =	shalt  }
0x3e: {  	_ =	shalt  }
0x3f: {  	_ =	shalt  }
0x40: {  	_ =	shalt  }
0x41: {  	_ =	shalt  }
0x42: {  	_ =	shalt  }
0x43: {  	_ =	shalt  }
0x44: {  	_ =	shalt  }
0x45: {  	_ =	shalt  }
0x46: {  	_ =	shalt  }
0x47: {  	_ =	shalt  }
0x48: {  	_ =	shalt  }
0x49: {  	_ =	shalt  }
0x4a: {  	_ =	shalt  }
0x4b: {  	_ =	shalt  }
0x4c: {  	_ =	shalt  }
0x4d: {  	_ =	shalt  }
0x4e: {  	_ =	shalt  }
0x4f: {  	_ =	shalt  }
0x50: {  	_ =	shalt  }
0x51: {  	_ =	shalt  }
0x52: {  	_ =	shalt  }
0x53: {  	_ =	shalt  }
0x54: {  	_ =	shalt  }
0x55: {  	_ =	shalt  }
0x56: {  	_ =	shalt  }
0x57: {  	_ =	shalt  }
0x58: {  	_ =	shalt  }
0x59: {  	_ =	shalt  }
0x5a: {  	_ =	shalt  }
0x5b: {  	_ =	shalt  }
0x5c: {  	_ =	shalt  }
0x5d: {  	_ =	shalt  }
0x5e: {  	_ =	shalt  }
0x5f: {  	_ =	shalt  }
0x60: {  	_ =	shalt  }
0x61: {  	_ =	shalt  }
0x62: {  	_ =	shalt  }
0x63: {  	_ =	shalt  }
0x64: {  	_ =	shalt  }
0x65: {  	_ =	shalt  }
0x66: {  	_ =	shalt  }
0x67: {  	_ =	shalt  }
0x68: {  	_ =	shalt  }
0x69: {  	_ =	shalt  }
0x6a: {  	_ =	shalt  }
0x6b: {  	_ =	shalt  }
0x6c: {  	_ =	shalt  }
0x6d: {  	_ =	shalt  }
0x6e: {  	_ =	shalt  }
0x6f: {  	_ =	shalt  }
0x70: {  	_ =	shalt  }
0x71: {  	_ =	shalt  }
0x72: {  	_ =	shalt  }
0x73: {  	_ =	shalt  }
0x74: {  	_ =	shalt  }
0x75: {  	_ =	shalt  }
0x76: {  	_ =	shalt  }
0x77: {  	_ =	shalt  }
0x78: {  	_ =	shalt  }
0x79: {  	_ =	shalt  }
0x7a: {  	_ =	shalt  }
0x7b: {  	_ =	shalt  }
0x7c: {  	_ =	shalt  }
0x7d: {  	_ =	shalt  }
0x7e: {  	_ =	shalt  }
0x7f: {  	_ =	shalt  }
0x80: {  	_ =	shalt  }
0x81: {  	_ =	shalt  }
0x82: {  	_ =	shalt  }
0x83: {  	_ =	shalt  }
0x84: {  	_ =	shalt  }
0x85: {  	_ =	shalt  }
0x86: {  	_ =	shalt  }
0x87: {  	_ =	shalt  }
.Lfunc_end0:
.L_simem_size_0:
called_computation_lowered:
.L_overlay_start_0:
0x88: {  	s2 =	sld [smem:$0x3FD9]  }
0x89: {  	s3 =	sld [smem:$0x3FFE];
	_ =	sdelay $0x1  }
0x8a: {  	s1 =	srdreg.scid  }
0x8b: {  	s0 =	sand.u32 $0x1, s1  }
0x8c: {  	s17 =	sshll.u32 s0, $0xA;
	s2 =	sadd.s32 s3, s2  }
0x8d: {  	s2 =	sadd.s32 s2, s17  }
0x8e: {  	[smem:$0x3FC2] =	sst s2  }
0x8f: {  	_ = 	snop  }
0x90: {  	s2 =	sld [smem:$0x3FD0];
	(tm) =	ssettm $0x1  }
0x91: {  	s18 =	sld [smem:$0x3FFB];
	_ =	sdelay $0x3  }
0x92: {  	_ =	strace s18  }
0x93: {  	s3 =	sld [smem:$0x3FFC];
	_ =	sdelay $0x3  }
0x94: {  	_ =	strace s3  }
0x95: {  	s3 =	sld [smem:$0x3FFD];
	_ =	sdelay $0x3  }
0x96: {  	_ =	strace s3  }
0x97: {  	_ =	strace $0x8FFFFFFF  }
0x98: {  	s19 =	sld [smem:$0x3FDB];
	_ =	sdelay $0x1  }
0x99: {  	s4 =	simm.s32 $_scs_section_size  }
0x9a: {  	s5 =	simm.s32 $_size__tile_overlayer_lowered;
	s6 =	simm.s32 $_tile_overlayer_lowered  }
0x9b: {  	s22 =	simm.s32 $0x1BFF;
	s21 =	sshll.u32 s6, $0x1;
	s3 =	sadd.s32 s4, s19  }
0x9c: {  	s7 =	simm.s32 $0x0;
	s20 =	sshll.u32 s5, $0x1;
	s5 =	sadd.s32 s21, s3  }
0x9d: {  	[timem:s7], [sflag:s22] =	dma.local [hbm:s5], s20  }
0x9e: {  	_ =	swait.ge [sflag:s22], s20  }
0x9f: {  	s4 =	ssub.s32 $0x0, s20;
	[sflag:s22] =	ssyncset.done $0x0  }
0xa0: {  	[sflag:s22] =	ssyncadd.s32 s4;
	_ =	sdelay $0x1  }
0xa1: {  	s23 =	simm.s32 $0x1B8B  }
0xa2: {  	_ =	swait.ge [sflag:s23], $0x1  }
0xa3: {  	[sflag:s23] =	ssyncset.done $0x0  }
0xa4: {  	s25 =	simm.s32 $0x1B8E;
	s24 =	sld [smem:$0x3FFE];
	[sflag:s23] =	ssyncadd.s32 $0xFFFFFFFF  }
0xa5: {  	s26 =	simm.s32 $execute0_lowered;
	[smem:$0x3FD2] =	sst s25  }
0xa6: {  	s5 =	sshll.u32 s26, $0x1;
	_ =	strace $0x80000046;
	[dreg:$0x1] =	wrdreg $0xFFFFFFFF  }
0xa7: {  	s28 =	simm.s32 $_size_execute0_lowered;
	s3 =	sadd.s32 s3, s5;
	[dreg:$0x0] =	wrdreg $0x0  }
0xa8: {  	s5 =	sshll.u32 s28, $0x1;
	[dreg:$0x2] =	wrdreg s3  }
0xa9: {  	[dreg:$0x3] =	wrdreg s5  }
0xaa: {  	[dreg:$0x4] =	wrdreg $0xC0  }
0xab: {  	_ =	task [dreg:s7], $0x5FFFF  }
0xac: {  	[dreg:$0x1] =	wrdreg $0xFFFFFFFF  }
0xad: {  	[dreg:$0x0] =	wrdreg $0x60  }
0xae: {  	[dreg:$0x2] =	wrdreg s24  }
0xaf: {  	[dreg:$0x3] =	wrdreg s2  }
0xb0: {  	[dreg:$0x4] =	wrdreg $0x80000  }
0xb1: {  	[dreg:$0x5] =	wrdreg $0x90000  }
0xb2: {  	[dreg:$0x6] =	wrdreg $0xA0000  }
0xb3: {  	[dreg:$0x7] =	wrdreg $0x9  }
0xb4: {  	_ =	task.clear_ibuf [dreg:s7], $0x8FFFF;
	_ =	strace $0x90000046  }
0xb5: {  	s29 =	simm.s32 $0x9;
	_ =	strace $0x80000048  }
0xb6: {  	_ =	swait.ge [sflag:s29], $0x1  }
0xb7: {  	[sflag:s29] =	ssyncadd.s32 $0xFFFFFFFF  }
0xb8: {  	_ =	strace $0x90000048  }
0xb9: {  	_ =	sfence  }
0xba: {  	s30 =	sld [smem:$0x0];
	_ =	sdelay $0x2  }
0xbb: {  	s31 =	sshll.u32 s1, $0xD;
	s1 =	sshrl.u32 s1, $0x2  }
0xbc: {  	s3 =	sand.u32 $0x4000, s31;
	s1 =	sadd.s32 s1, s30  }
0xbd: {  	s0 =	sor.u32 s3, s0;
	s1 =	sshll.u32 s1, $0x11  }
0xbe: {  	s0 =	sor.u32 s1, s0  }
0xbf: {  	s0 =	sadd.s32 $0x8F2B, s0  }
0xc0: {  	[sflag:s0] =	ssyncadd.remote.s32 $0x1  }
0xc1: {  	_ =	sfence.sel $0xFFFF  }
0xc2: {  	[dreg:$0x0] =	wrdreg $0xFFFFFFFF;
	(pc) =	sbr.abs _section_cstart, $3  }
0xc3: {  	[dreg:$0x1] =	wrdreg $0xFFFFFFFF  }
0xc4: {  	_ =	task.clear_ibuf [dreg:s7], $0x2FFFF;
	_ =	strace $0x9FFFFFFF  }
0xc5: {  	(tm) =	ssettm $0x7FFFFFFF  }
tec
execute0_lowered:
.L_overlay_start_1:
0x0: {  	(tag) =	ssettag $0x1  }
0x1: {  	s6 =	rddreg [dreg:$0x0]  }
0x2: {  	s7 =	rddreg [dreg:$0x1]  }
0x3: {  	s1 =	rddreg [dreg:$0x2]  }
0x4: {  	s3 =	rddreg [dreg:$0x3]  }
0x5: {  	s4 =	rddreg [dreg:$0x4]  }
0x6: {  	s0 =	srdreg.scid;
	s2 =	rddreg [dreg:$0x5]  }
0x7: {  	s5 =	simm.s32 $0x0;
	s17 =	simm.s32 $0x1;
	s20 =	simm.s32 $0x2000  }
0x8: {  	s21 =	simm.s32 $0x4000;
	s8 =	sand.u32 $0x1, s0;
	s0 =	stileid.u32  }
0x9: {  	s22 =	simm.s32 $0x6000;
	[smem:$0x7FF] =	sst s5;
	s9 =	smul.u32 $0x180000, s8  }
0xa: {  	s11 =	sadd.s32 $0x181200, s6;
	s10 =	smul.u32 $0x18000, s0;
	s23 =	ssub.s32 $0x2, s8  }
0xb: {  	_ =	strace $0x80000047;
	s25 =	sshll.u32 s0, $0xC;
	s26 =	sshll.u32 s0, $0x9  }
0xc: {  	s28 =	sshll.u32 s0, $0x6;
	s8 =	smul.u32 $0x30000, s8;
	s24 =	sshrl.u32 s23, $0x1  }
0xd: {  	s16 =	sadd.s32 s25, s1;
	s18 =	sadd.s32 s25, s3;
	s19 =	sadd.s32 s25, s4  }
0xe: {  	s9 =	sadd.s32 s10, s9;
	s12 =	ssub.s32 s23, s24;
	s8 =	sor.u32 s25, s8  }
0xf: {  	s16 =	sshrl.u32 s16, $0x3;
	s18 =	sshrl.u32 s18, $0x3;
	s19 =	sshrl.u32 s19, $0x3  }
0x10: {  	s23 =	simm.s32 $0x0;
	s9 =	sshrl.u32 s9, $0x3;
	s29 =	sadd.s32 $0x10000, s8  }
0x11: {  	s13 =	sadd.s32 $0x20000, s8;
	s15 =	sadd.s32 s9, s6;
	s6 =	sadd.s32 s7, s26  }
0x12: {  	s7 =	sor.u32 $0x1C01, s28;
	s9 =	sshrl.u32 s8, $0x3;
	s30 =	sshrl.u32 s29, $0x3  }
0x13: {  	s31 =	sshrl.u32 s13, $0x3;
	s8 =	sadd.s32 s11, s9;
	s9 =	sadd.s32 s11, s30  }
0x14: {  	s10 =	sadd.s32 s11, s31;
	s11 =	smax.u32 s12, $0x1;
	s12 =	sadd.s32 $0xC1200, s15  }
0x15: {  	s13 =	sadd.s32 $0x61200, s15;
	s14 =	sadd.s32 $0x1200, s15;
	s15 =	sadd.s32 $0x121200, s15  }
.LBB2_1:
0x16: {  	[spmem:s16], [sflag:s7] =	dma.local [hbm:s6], $0x200  }
0x17: {  	_ =	swait.ge [sflag:s17], $0x200  }
0x18: {  	[sflag:s17] =	ssyncset.done $0x0  }
0x19: {  	[sflag:s17] =	ssyncadd.s32 $0xFFFFFE00  }
0x1a: {  	[spmem:s18], [sflag:s7] =	dma.local [hbm:s6], $0x200  }
0x1b: {  	_ =	swait.ge [sflag:s17], $0x200  }
0x1c: {  	[sflag:s17] =	ssyncset.done $0x0  }
0x1d: {  	[sflag:s17] =	ssyncadd.s32 $0xFFFFFE00  }
0x1e: {  	[spmem:s19], [sflag:s7] =	dma.local [hbm:s6], $0x200  }
0x1f: {  	_ =	swait.ge [sflag:s17], $0x200  }
0x20: {  	[sflag:s17] =	ssyncset.done $0x0  }
0x21: {  	[sflag:s17] =	ssyncadd.s32 $0xFFFFFE00  }
0x22: {  	s24 =	sadd.s32 $0x0, s15;
	[bflag:$0x0] =	sbarrier.arrive $0xFFFF  }
0x23: {  	[tilespmem:s5], [sflag:$0x1] =	stream.linear.gather [hbm4b:s24+s5], $0x2000, $0x38;
	[tilespmem:$0xB000] =	vst v63  }
0x24: {  	_ =	swait.ge [sflag:s17], $0x2000  }
0x25: {  	[sflag:s17] =	ssyncset.done $0x0  }
0x26: {  	s29 =	sadd.s32 $0x0, s14;
	[sflag:s17] =	ssyncadd.s32 $0xFFFFE000  }
0x27: {  	[tilespmem:s20], [sflag:$0x1] =	stream.linear.gather [hbm4b:s29+s5], $0x2000, $0x38;
	[tilespmem:$0xB000] =	vst v63  }
0x28: {  	_ =	swait.ge [sflag:s17], $0x2000  }
0x29: {  	[sflag:s17] =	ssyncset.done $0x0  }
0x2a: {  	s30 =	sadd.s32 $0x0, s13;
	[sflag:s17] =	ssyncadd.s32 $0xFFFFE000  }
0x2b: {  	[tilespmem:s21], [sflag:$0x1] =	stream.linear.gather [hbm4b:s30+s5], $0x2000, $0x38;
	[tilespmem:$0xB000] =	vst v63  }
0x2c: {  	_ =	swait.ge [sflag:s17], $0x2000  }
0x2d: {  	[sflag:s17] =	ssyncset.done $0x0  }
0x2e: {  	s31 =	sadd.s32 $0x0, s12;
	[sflag:s17] =	ssyncadd.s32 $0xFFFFE000  }
0x2f: {  	[tilespmem:s22], [sflag:$0x1] =	stream.linear.gather [hbm4b:s31+s5], $0x2000, $0x38;
	[tilespmem:$0xB000] =	vst v63  }
0x30: {  	_ =	swait.ge [sflag:s17], $0x2000  }
0x31: {  	[sflag:s17] =	ssyncset.done $0x0  }
0x32: {  	[sflag:s17] =	ssyncadd.s32 $0xFFFFE000  }
0x33: {  	[spmem:s1] =	stream.indirect.scatter.add.f32 [tilespmem:s20], [sflag:$0x1], $0x1, s5, s20, $0xb8;
	[tilespmem:$0xB000] =	vst v63  }
0x34: {  	_ =	swait.ge [sflag:s17], $0x2000  }
0x35: {  	[sflag:s17] =	ssyncset.done $0x0  }
0x36: {  	[sflag:s17] =	ssyncadd.s32 $0xFFFFE000  }
0x37: {  	[spmem:s3] =	stream.indirect.scatter.add.f32 [tilespmem:s21], [sflag:$0x1], $0x1, s5, s20, $0xb8;
	[tilespmem:$0xB000] =	vst v63  }
0x38: {  	_ =	swait.ge [sflag:s17], $0x2000  }
0x39: {  	[sflag:s17] =	ssyncset.done $0x0  }
0x3a: {  	[sflag:s17] =	ssyncadd.s32 $0xFFFFE000  }
0x3b: {  	[spmem:s4] =	stream.indirect.scatter.add.f32 [tilespmem:s22], [sflag:$0x1], $0x1, s5, s20, $0xb8;
	[tilespmem:$0xB000] =	vst v63  }
0x3c: {  	_ =	swait.ge [sflag:s17], $0x2000  }
0x3d: {  	s25 =	simm.s32 $0x800;
	s24 =	simm.s32 $0x400;
	[sflag:s17] =	ssyncset.done $0x0  }
.LBB2_2:
0x3e: {  	s26 =	sadd.s32 s24, s15  }
0x3f: {  	[sflag:s17] =	ssyncadd.s32 $0xFFFFE000;
	s28 =	smov.u32 s25;
	s29 =	sadd.s32 $0x400, s25  }
0x40: {  	[tilespmem:s5], [sflag:$0x1] =	stream.linear.gather [hbm4b:s26+s5], $0x2000, $0x38;
	[tilespmem:$0xB000] =	vst v63  }
0x41: {  	p0 =	sne.s32 s25, $0x2C00;
	_ =	swait.ge [sflag:s17], $0x2000  }
0x42: {  	[sflag:s17] =	ssyncset.done $0x0  }
0x43: {  	s25 =	sadd.s32 s24, s14;
	[sflag:s17] =	ssyncadd.s32 $0xFFFFE000  }
0x44: {  	[tilespmem:s20], [sflag:$0x1] =	stream.linear.gather [hbm4b:s25+s5], $0x2000, $0x38;
	[tilespmem:$0xB000] =	vst v63  }
0x45: {  	_ =	swait.ge [sflag:s17], $0x2000  }
0x46: {  	[sflag:s17] =	ssyncset.done $0x0  }
0x47: {  	s25 =	sadd.s32 s24, s13;
	[sflag:s17] =	ssyncadd.s32 $0xFFFFE000  }
0x48: {  	[tilespmem:s21], [sflag:$0x1] =	stream.linear.gather [hbm4b:s25+s5], $0x2000, $0x38;
	[tilespmem:$0xB000] =	vst v63  }
0x49: {  	_ =	swait.ge [sflag:s17], $0x2000  }
0x4a: {  	[sflag:s17] =	ssyncset.done $0x0  }
0x4b: {  	s25 =	sadd.s32 s24, s12;
	s24 =	smov.u32 s28;
	[sflag:s17] =	ssyncadd.s32 $0xFFFFE000  }
0x4c: {  	[tilespmem:s22], [sflag:$0x1] =	stream.linear.gather [hbm4b:s25+s5], $0x2000, $0x38;
	[tilespmem:$0xB000] =	vst v63  }
0x4d: {  	_ =	swait.ge [sflag:s17], $0x2000  }
0x4e: {  	[sflag:s17] =	ssyncset.done $0x0  }
0x4f: {  	[sflag:s17] =	ssyncadd.s32 $0xFFFFE000  }
0x50: {  	[spmem:s1] =	stream.indirect.scatter.add.f32 [tilespmem:s20], [sflag:$0x1], $0x1, s5, s20, $0xb8;
	[tilespmem:$0xB000] =	vst v63  }
0x51: {  	_ =	swait.ge [sflag:s17], $0x2000  }
0x52: {  	[sflag:s17] =	ssyncset.done $0x0  }
0x53: {  	[sflag:s17] =	ssyncadd.s32 $0xFFFFE000  }
0x54: {  	[spmem:s3] =	stream.indirect.scatter.add.f32 [tilespmem:s21], [sflag:$0x1], $0x1, s5, s20, $0xb8;
	[tilespmem:$0xB000] =	vst v63  }
0x55: {  	_ =	swait.ge [sflag:s17], $0x2000  }
.Ltmp0:
0x56: {  	[sflag:s17] =	ssyncset.done $0x0;
	(pc) =	sbr.rel @p0 .LBB2_2-.Ltmp0, $4  }
0x57: {  	[sflag:s17] =	ssyncadd.s32 $0xFFFFE000  }
0x58: {  	[spmem:s4] =	stream.indirect.scatter.add.f32 [tilespmem:s22], [sflag:$0x1], $0x1, s5, s20, $0xb8;
	[tilespmem:$0xB000] =	vst v63  }
0x59: {  	_ =	swait.ge [sflag:s17], $0x2000  }
0x5a: {  	s25 =	smov.u32 s29;
	[sflag:s17] =	ssyncset.done $0x0  }
0x5b: {  	s25 =	sadd.s32 s24, s15;
	[sflag:s17] =	ssyncadd.s32 $0xFFFFE000  }
0x5c: {  	[tilespmem:s5], [sflag:$0x1] =	stream.linear.gather [hbm4b:s25+s5], $0x2000, $0x38;
	[tilespmem:$0xB000] =	vst v63  }
0x5d: {  	_ =	swait.ge [sflag:s17], $0x2000  }
0x5e: {  	[sflag:s17] =	ssyncset.done $0x0  }
0x5f: {  	s29 =	sadd.s32 s24, s14;
	[sflag:s17] =	ssyncadd.s32 $0xFFFFE000  }
0x60: {  	[tilespmem:s20], [sflag:$0x1] =	stream.linear.gather [hbm4b:s29+s5], $0x2000, $0x38;
	[tilespmem:$0xB000] =	vst v63  }
0x61: {  	_ =	swait.ge [sflag:s17], $0x2000  }
0x62: {  	[sflag:s17] =	ssyncset.done $0x0  }
0x63: {  	s30 =	sadd.s32 s24, s13;
	[sflag:s17] =	ssyncadd.s32 $0xFFFFE000  }
0x64: {  	[tilespmem:s21], [sflag:$0x1] =	stream.linear.gather [hbm4b:s30+s5], $0x2000, $0x38;
	[tilespmem:$0xB000] =	vst v63  }
0x65: {  	_ =	swait.ge [sflag:s17], $0x2000  }
0x66: {  	[sflag:s17] =	ssyncset.done $0x0  }
0x67: {  	s31 =	sadd.s32 s24, s12;
	[sflag:s17] =	ssyncadd.s32 $0xFFFFE000  }
0x68: {  	[tilespmem:s22], [sflag:$0x1] =	stream.linear.gather [hbm4b:s31+s5], $0x2000, $0x38;
	[tilespmem:$0xB000] =	vst v63  }
0x69: {  	_ =	swait.ge [sflag:s17], $0x2000  }
0x6a: {  	[sflag:s17] =	ssyncset.done $0x0  }
0x6b: {  	[sflag:s17] =	ssyncadd.s32 $0xFFFFE000  }
0x6c: {  	[spmem:s1] =	stream.indirect.scatter.add.f32 [tilespmem:s20], [sflag:$0x1], $0x1, s5, s20, $0xb8;
	[tilespmem:$0xB000] =	vst v63  }
0x6d: {  	_ =	swait.ge [sflag:s17], $0x2000  }
0x6e: {  	[sflag:s17] =	ssyncset.done $0x0  }
0x6f: {  	[sflag:s17] =	ssyncadd.s32 $0xFFFFE000  }
0x70: {  	[spmem:s3] =	stream.indirect.scatter.add.f32 [tilespmem:s21], [sflag:$0x1], $0x1, s5, s20, $0xb8;
	[tilespmem:$0xB000] =	vst v63  }
0x71: {  	_ =	swait.ge [sflag:s17], $0x2000  }
0x72: {  	[sflag:s17] =	ssyncset.done $0x0  }
0x73: {  	[sflag:s17] =	ssyncadd.s32 $0xFFFFE000  }
0x74: {  	[spmem:s4] =	stream.indirect.scatter.add.f32 [tilespmem:s22], [sflag:$0x1], $0x1, s5, s20, $0xb8;
	[tilespmem:$0xB000] =	vst v63  }
0x75: {  	_ =	swait.ge [sflag:s17], $0x2000  }
0x76: {  	[sflag:s17] =	ssyncset.done $0x0  }
0x77: {  	[sflag:s17] =	ssyncadd.s32 $0xFFFFE000  }
0x78: {  	[bflag:$0x0] =	sbarrier.arrive $0xFFFF  }
0x79: {  	[hbm:s8], [sflag:s7] =	dma.local [spmem:s16], $0x200  }
0x7a: {  	_ =	swait.ge [sflag:s17], $0x200  }
0x7b: {  	[sflag:s17] =	ssyncset.done $0x0  }
0x7c: {  	[sflag:s17] =	ssyncadd.s32 $0xFFFFFE00  }
0x7d: {  	[hbm:s9], [sflag:s7] =	dma.local [spmem:s18], $0x200  }
0x7e: {  	s23 =	sadd.s32 $0x1, s23;
	_ =	swait.ge [sflag:s17], $0x200  }
0x7f: {  	p0 =	sne.s32 s23, s11;
	[sflag:s17] =	ssyncset.done $0x0  }
.Ltmp1:
0x80: {  	[sflag:s17] =	ssyncadd.s32 $0xFFFFFE00;
	(pc) =	sbr.rel @p0 .LBB2_1-.Ltmp1, $4  }
0x81: {  	[hbm:s10], [sflag:s7] =	dma.local [spmem:s19], $0x200  }
0x82: {  	_ =	swait.ge [sflag:s17], $0x200  }
0x83: {  	[sflag:s17] =	ssyncset.done $0x0  }
0x84: {  	[sflag:s17] =	ssyncadd.s32 $0xFFFFFE00  }
0x85: {  	_ =	sfence.sel $0x180000  }
0x86: {  	[bflag:$0x0] =	sbarrier.arrive $0xFFFF  }
0x87: {  	p0 =	sne.s32 s0, $0x0;
	_ =	strace $0x90000047  }
0x88: {  	s0 =	sadd.s32 @!p0 $0x100000, s2;
	[bflag:$0x2] =	sbarrier.arrive $0xFFFF  }
0x89: {  	[sflag:s0] =	ssyncadd.tile.s32 @!p0 $0x1;
	_ =	shalt  }
.Lfunc_end2:
_tile_overlayer_lowered:
.L_overlay_start_2:
0x8a: {  	(tag) =	ssettag $0x2  }
0x8b: {  	s0 =	rddreg [dreg:$0x0];
	s2 =	stileid.u32  }
0x8c: {  	s1 =	rddreg [dreg:$0x1];
	p0 =	sne.s32 s2, $0x0  }
0x8d: {  	s3 =	rddreg [dreg:$0x2];
	[bflag:$0x3] =	sbarrier.arrive $0xFFFF;
	s2 =	simm.s32 @!p0 $0x1C01  }
0x8e: {  	[timem:s3], [sflag:s2] =	dma.local @!p0 [hbm:s0], s1  }
0x8f: {  	s0 =	simm.s32 @!p0 $0x1  }
0x90: {  	_ =	swait.ge @!p0 [sflag:s0], s1  }
0x91: {  	s1 =	ssub.s32 @!p0 $0x0, s1;
	[sflag:s0] =	ssyncset.done @!p0 $0x0  }
0x92: {  	[sflag:s0] =	ssyncadd.s32 @!p0 s1  }
0x93: {  	[bflag:$0x3] =	sbarrier.arrive $0xFFFF  }
0x94: {  	_ =	shalt  }

// kernel: kernel.8.cloned.1.call-start
scs
__scs_entry_jumppad:
0x0: {  	(pc) =	sbr.rel $0x88, $3  }
0x1: {  	(tag) =	ssettag $0x0;
	lr =	simm.s32 $0x1  }
0x2: {  	[smem:$0x3F9B] =	sst lr;
	_ =	strace $0xD0000000  }
0x3: {  	_ = 	snop  }
0x4: {  	_ = 	snop  }
0x5: {  	_ = 	snop  }
0x6: {  	_ = 	snop  }
0x7: {  	_ = 	snop  }
__scs_overlays_trampoline_lowered:
0x8: {  	[smem:$0x3FAA] =	sst s0  }
0x9: {  	[smem:$0x3FAB] =	sst s1  }
0xa: {  	[smem:$0x3FAC] =	sst s2  }
0xb: {  	[smem:$0x3FAD] =	sst s3  }
0xc: {  	[smem:$0x3FAE] =	sst s4  }
0xd: {  	[smem:$0x3FAF] =	sst s5  }
0xe: {  	[smem:$0x3FB0] =	sst s6  }
0xf: {  	[smem:$0x3FB1] =	sst s7  }
0x10: {  	[smem:$0x3FB2] =	sst s8  }
0x11: {  	[smem:$0x3FB3] =	sst s9;
	s0 =	simm.s32 @!p0 $0x0  }
0x12: {  	s1 =	sld [smem:$0x3F99];
	s0 =	simm.s32 @p0 $0x1  }
0x13: {  	[smem:$0x3FB4] =	sst s0;
	s0 =	simm.s32 @!p1 $0x0  }
0x14: {  	s2 =	sld [smem:$0x3F98];
	s0 =	simm.s32 @p1 $0x1  }
0x15: {  	[smem:$0x3FB5] =	sst s0;
	s0 =	simm.s32 @!p2 $0x0  }
0x16: {  	s3 =	sld [smem:$0x3FDB];
	s0 =	simm.s32 @p2 $0x1  }
0x17: {  	s4 =	simm.s32 $0x1BF5;
	[smem:$0x3FB7] =	sst s0  }
0x18: {  	s0 =	sld [smem:$0x3F9A];
	_ =	swait.ge [sflag:s4], $0x0  }
0x19: {  	s7 =	sld [smem:$0x3F9B]  }
0x1a: {  	s8 =	sadd.s32 $0xFFFFE003, lr  }
0x1b: {  	s9 =	sadd.s32 $0xFFFFFEF7, lr;
	s5 =	simm.s32 $0xFFFFFFFF;
	p2 =	slt.u32 s8, $0xFFFFF086  }
0x1c: {  	p1 =	slt.u32 s9, $0xF7A;
	s5 =	simm.s32 @!p2 $0x0  }
0x1d: {  	s5 =	simm.s32 @p1 $0x1;
	p0 =	seq.s32 s7, s2  }
0x1e: {  	s7 =	smul.u32 @!p0 $0xF7A, s2;
	p2 =	seq.s32 @!p0 s5, $0x0  }
0x1f: {  	s9 =	smul.u32 $0xF7A, s1;
	s8 =	simm.s32 @!p0 $0x1BF5;
	p2 =	por !p2, p0  }
0x20: {  	[sflag:s8] =	ssyncset.s32 @!p0 $0xFFFFF086;
	s6 =	sadd.s32 @!p0 s3, s7;
	s7 =	simm.s32 @!p0 $0x108  }
0x21: {  	s3 =	sadd.s32 s3, s9;
	s6 =	sadd.s32 @!p0 $0x88, s6;
	s7 =	simm.s32 @p2 $0x1082  }
0x22: {  	[simem:s7], [sflag:s8] =	dma.local @!p0 [hbm:s6], $0xF7A  }
0x23: {  	s9 =	sor.u32 $0xD0000000, s2;
	s6 =	simm.s32 $0x108;
	_ =	swait.ge @!p0 [sflag:s8], $0x0  }
0x24: {  	s3 =	sadd.s32 $0x88, s3;
	s6 =	simm.s32 @!p1 $0x1082;
	[sflag:s4] =	ssyncset.s32 $0xFFFFF086  }
0x25: {  	[simem:s6], [sflag:s4] =	dma.local [hbm:s3], $0xF7A  }
0x26: {  	[smem:$0x3F9B] =	sst s1;
	(tag) =	ssettag s2;
	_ =	strace s9  }
0x27: {  	s1 =	sld [smem:$0x3FAB]  }
0x28: {  	s2 =	sld [smem:$0x3FAC]  }
0x29: {  	s4 =	sld [smem:$0x3FAE]  }
0x2a: {  	p0 =	seq.s32 s5, $0x0;
	s5 =	sld [smem:$0x3FAF]  }
0x2b: {  	s6 =	sld [smem:$0x3FB0]  }
0x2c: {  	s7 =	sld [smem:$0x3FB1]  }
0x2d: {  	s3 =	simm.s32 $0x108;
	s8 =	sld [smem:$0x3FB2]  }
0x2e: {  	s3 =	simm.s32 @!p0 $0x1082;
	s9 =	sld [smem:$0x3FB3]  }
0x2f: {  	lr =	sadd.s32 s0, s3;
	s0 =	sld [smem:$0x3FAA]  }
0x30: {  	s3 =	sld [smem:$0x3FAD]  }
0x31: {  	[smem:$0x3FB6] =	sst s10  }
0x32: {  	s10 =	sld [smem:$0x3FB4];
	_ =	sdelay $0x3  }
0x33: {  	p0 =	seq.s32 s10, $0x1;
	s10 =	sld [smem:$0x3FB6];
	_ =	sdelay $0x3  }
0x34: {  	[smem:$0x3FB6] =	sst s10  }
0x35: {  	s10 =	sld [smem:$0x3FB5];
	_ =	sdelay $0x3  }
0x36: {  	p1 =	seq.s32 s10, $0x1;
	s10 =	sld [smem:$0x3FB6];
	_ =	sdelay $0x3  }
0x37: {  	[smem:$0x3FB6] =	sst s10  }
0x38: {  	s10 =	sld [smem:$0x3FB7]  }
0x39: {  	_ = 	snop;
	(pc) =	sbr.ind lr, $3  }
0x3a: {  	_ = 	snop  }
0x3b: {  	_ = 	snop  }
0x3c: {  	p2 =	seq.s32 s10, $0x1;
	s10 =	sld [smem:$0x3FB6]  }
0x3d: {  	_ =	shalt  }
0x3e: {  	_ =	shalt  }
0x3f: {  	_ =	shalt  }
0x40: {  	_ =	shalt  }
0x41: {  	_ =	shalt  }
0x42: {  	_ =	shalt  }
0x43: {  	_ =	shalt  }
0x44: {  	_ =	shalt  }
0x45: {  	_ =	shalt  }
0x46: {  	_ =	shalt  }
0x47: {  	_ =	shalt  }
0x48: {  	_ =	shalt  }
0x49: {  	_ =	shalt  }
0x4a: {  	_ =	shalt  }
0x4b: {  	_ =	shalt  }
0x4c: {  	_ =	shalt  }
0x4d: {  	_ =	shalt  }
0x4e: {  	_ =	shalt  }
0x4f: {  	_ =	shalt  }
0x50: {  	_ =	shalt  }
0x51: {  	_ =	shalt  }
0x52: {  	_ =	shalt  }
0x53: {  	_ =	shalt  }
0x54: {  	_ =	shalt  }
0x55: {  	_ =	shalt  }
0x56: {  	_ =	shalt  }
0x57: {  	_ =	shalt  }
0x58: {  	_ =	shalt  }
0x59: {  	_ =	shalt  }
0x5a: {  	_ =	shalt  }
0x5b: {  	_ =	shalt  }
0x5c: {  	_ =	shalt  }
0x5d: {  	_ =	shalt  }
0x5e: {  	_ =	shalt  }
0x5f: {  	_ =	shalt  }
0x60: {  	_ =	shalt  }
0x61: {  	_ =	shalt  }
0x62: {  	_ =	shalt  }
0x63: {  	_ =	shalt  }
0x64: {  	_ =	shalt  }
0x65: {  	_ =	shalt  }
0x66: {  	_ =	shalt  }
0x67: {  	_ =	shalt  }
0x68: {  	_ =	shalt  }
0x69: {  	_ =	shalt  }
0x6a: {  	_ =	shalt  }
0x6b: {  	_ =	shalt  }
0x6c: {  	_ =	shalt  }
0x6d: {  	_ =	shalt  }
0x6e: {  	_ =	shalt  }
0x6f: {  	_ =	shalt  }
0x70: {  	_ =	shalt  }
0x71: {  	_ =	shalt  }
0x72: {  	_ =	shalt  }
0x73: {  	_ =	shalt  }
0x74: {  	_ =	shalt  }
0x75: {  	_ =	shalt  }
0x76: {  	_ =	shalt  }
0x77: {  	_ =	shalt  }
0x78: {  	_ =	shalt  }
0x79: {  	_ =	shalt  }
0x7a: {  	_ =	shalt  }
0x7b: {  	_ =	shalt  }
0x7c: {  	_ =	shalt  }
0x7d: {  	_ =	shalt  }
0x7e: {  	_ =	shalt  }
0x7f: {  	_ =	shalt  }
0x80: {  	_ =	shalt  }
0x81: {  	_ =	shalt  }
0x82: {  	_ =	shalt  }
0x83: {  	_ =	shalt  }
0x84: {  	_ =	shalt  }
0x85: {  	_ =	shalt  }
0x86: {  	_ =	shalt  }
0x87: {  	_ =	shalt  }
.Lfunc_end0:
.L_simem_size_0:
called_computation.1_lowered:
.L_overlay_start_0:
0x88: {  	s2 =	sld [smem:$0x3FD9]  }
0x89: {  	s3 =	sld [smem:$0x3FFE];
	_ =	sdelay $0x1  }
0x8a: {  	s1 =	srdreg.scid  }
0x8b: {  	s0 =	sand.u32 $0x1, s1  }
0x8c: {  	s16 =	sshll.u32 s0, $0xA;
	s2 =	sadd.s32 s3, s2  }
0x8d: {  	s2 =	sadd.s32 s2, s16  }
0x8e: {  	[smem:$0x3FC2] =	sst s2  }
0x8f: {  	_ = 	snop  }
0x90: {  	(tm) =	ssettm $0x1  }
0x91: {  	s17 =	sld [smem:$0x3FFB];
	_ =	sdelay $0x3  }
0x92: {  	_ =	strace s17  }
0x93: {  	s2 =	sld [smem:$0x3FFC];
	_ =	sdelay $0x3  }
0x94: {  	_ =	strace s2  }
0x95: {  	s2 =	sld [smem:$0x3FFD];
	_ =	sdelay $0x3  }
0x96: {  	_ =	strace s2  }
0x97: {  	_ =	strace $0x8FFFFFFF  }
0x98: {  	s18 =	sld [smem:$0x3FDB];
	_ =	sdelay $0x1  }
0x99: {  	s19 =	simm.s32 $_scs_section_size  }
0x9a: {  	s4 =	simm.s32 $_size__tile_overlayer_lowered;
	s5 =	simm.s32 $_tile_overlayer_lowered  }
0x9b: {  	s22 =	simm.s32 $0x1BFF;
	s21 =	sshll.u32 s5, $0x1;
	s2 =	sadd.s32 s19, s18  }
0x9c: {  	s6 =	simm.s32 $0x0;
	s20 =	sshll.u32 s4, $0x1;
	s4 =	sadd.s32 s21, s2  }
0x9d: {  	[timem:s6], [sflag:s22] =	dma.local [hbm:s4], s20  }
0x9e: {  	_ =	swait.ge [sflag:s22], s20  }
0x9f: {  	s3 =	ssub.s32 $0x0, s20;
	[sflag:s22] =	ssyncset.done $0x0  }
0xa0: {  	[sflag:s22] =	ssyncadd.s32 s3;
	_ =	sdelay $0x1  }
0xa1: {  	s23 =	simm.s32 $0x1B8B  }
0xa2: {  	_ =	swait.ge [sflag:s23], $0x1  }
0xa3: {  	[sflag:s23] =	ssyncset.done $0x0  }
0xa4: {  	s25 =	simm.s32 $0x1B8E;
	s24 =	sld [smem:$0x3FFE];
	[sflag:s23] =	ssyncadd.s32 $0xFFFFFFFF  }
0xa5: {  	s26 =	simm.s32 $execute0_lowered;
	[smem:$0x3FD2] =	sst s25  }
0xa6: {  	s4 =	sshll.u32 s26, $0x1;
	_ =	strace $0x80000049;
	[dreg:$0x1] =	wrdreg $0xFFFFFFFF  }
0xa7: {  	s28 =	simm.s32 $_size_execute0_lowered;
	s2 =	sadd.s32 s2, s4;
	[dreg:$0x0] =	wrdreg $0x0  }
0xa8: {  	s4 =	sshll.u32 s28, $0x1;
	[dreg:$0x2] =	wrdreg s2  }
0xa9: {  	[dreg:$0x3] =	wrdreg s4  }
0xaa: {  	[dreg:$0x4] =	wrdreg $0xC0  }
0xab: {  	_ =	task [dreg:s6], $0x5FFFF  }
0xac: {  	[dreg:$0x1] =	wrdreg $0xFFFFFFFF  }
0xad: {  	[dreg:$0x0] =	wrdreg $0x60  }
0xae: {  	[dreg:$0x2] =	wrdreg s24  }
0xaf: {  	[dreg:$0x3] =	wrdreg $0x9  }
0xb0: {  	_ =	task.clear_ibuf [dreg:s6], $0x4FFFF;
	_ =	strace $0x90000049  }
0xb1: {  	s29 =	simm.s32 $0x9;
	_ =	strace $0x8000004B  }
0xb2: {  	_ =	swait.ge [sflag:s29], $0x1  }
0xb3: {  	[sflag:s29] =	ssyncadd.s32 $0xFFFFFFFF  }
0xb4: {  	_ =	strace $0x9000004B  }
0xb5: {  	_ =	sfence  }
0xb6: {  	s30 =	sld [smem:$0x0];
	_ =	sdelay $0x2  }
0xb7: {  	s31 =	sshll.u32 s1, $0xD;
	s1 =	sshrl.u32 s1, $0x2  }
0xb8: {  	s3 =	sand.u32 $0x4000, s31;
	s1 =	sadd.s32 s1, s30  }
0xb9: {  	s0 =	sor.u32 s3, s0;
	s1 =	sshll.u32 s1, $0x11  }
0xba: {  	s0 =	sor.u32 s1, s0  }
0xbb: {  	s0 =	sadd.s32 $0x8F2B, s0  }
0xbc: {  	[sflag:s0] =	ssyncadd.remote.s32 $0x1  }
0xbd: {  	_ =	sfence.sel $0xFFFF  }
0xbe: {  	[dreg:$0x0] =	wrdreg $0xFFFFFFFF;
	(pc) =	sbr.abs _section_cstart, $3  }
0xbf: {  	[dreg:$0x1] =	wrdreg $0xFFFFFFFF  }
0xc0: {  	_ =	task.clear_ibuf [dreg:s6], $0x2FFFF;
	_ =	strace $0x9FFFFFFF  }
0xc1: {  	(tm) =	ssettm $0x7FFFFFFF  }
tec
execute0_lowered:
.L_overlay_start_1:
0x0: {  	(tag) =	ssettag $0x1  }
0x1: {  	s0 =	rddreg [dreg:$0x0];
	s1 =	simm.s32 $0x0;
	s3 =	srdreg.scid  }
0x2: {  	s5 =	stileid.u32;
	s22 =	simm.s32 $0x1;
	s25 =	simm.s32 $0x7800  }
0x3: {  	s26 =	simm.s32 $0x8000;
	s28 =	simm.s32 $0x8800;
	s29 =	simm.s32 $0x0  }
0x4: {  	[smem:$0x7FF] =	sst s1;
	s2 =	sadd.s32 $0x181200, s0;
	s3 =	sand.u32 $0x1, s3  }
0x5: {  	s14 =	sadd.s32 $0x18D200, s0;
	s5 =	sshll.u32 s5, $0x8;
	s4 =	ssub.s32 $0x2, s3  }
0x6: {  	s0 =	sadd.s32 $0x1200, s0;
	s3 =	sshll.u32 s3, $0xC;
	s6 =	sshrl.u32 s4, $0x1  }
0x7: {  	_ =	strace $0x8000004A;
	s18 =	sor.u32 s5, s3;
	s21 =	ssub.s32 s4, s6  }
0x8: {  	s19 =	sor.u32 $0x2000, s18;
	s20 =	sor.u32 $0x4000, s18;
	s3 =	sadd.s32 s2, s18  }
0x9: {  	s12 =	sor.u32 $0x6000, s18;
	s13 =	sor.u32 $0x8000, s18;
	s15 =	sor.u32 $0xA000, s18  }
0xa: {  	s9 =	sadd.s32 s14, s18;
	s18 =	sadd.s32 s0, s18;
	s4 =	sadd.s32 s2, s19  }
0xb: {  	s5 =	sadd.s32 s2, s20;
	s6 =	sadd.s32 s2, s12;
	s7 =	sadd.s32 s2, s13  }
0xc: {  	s8 =	sadd.s32 s2, s15;
	s10 =	sadd.s32 s14, s19;
	s11 =	sadd.s32 s14, s20  }
0xd: {  	s12 =	sadd.s32 s14, s12;
	s13 =	sadd.s32 s14, s13;
	s14 =	sadd.s32 s14, s15  }
0xe: {  	s15 =	sadd.s32 $0xC000, s9;
	s16 =	sadd.s32 $0xE000, s9;
	s17 =	sadd.s32 $0x10000, s9  }
0xf: {  	s19 =	sadd.s32 s0, s19;
	s20 =	sadd.s32 s0, s20;
	s21 =	smax.u32 s21, $0x1  }
.LBB2_1:
0x10: {  	[tilespmem:s1], [sflag:$0x1] =	stream.linear.gather [hbm4b:s3+s1], $0x800, $0x38;
	[tilespmem:$0x9000] =	vst v63  }
0x11: {  	_ =	swait.ge [sflag:s22], $0x800  }
0x12: {  	[sflag:s22] =	ssyncset.done $0x0  }
0x13: {  	s0 =	simm.s32 $0x800;
	[sflag:s22] =	ssyncadd.s32 $0xFFFFF800  }
0x14: {  	[tilespmem:s0], [sflag:$0x1] =	stream.linear.gather [hbm4b:s4+s1], $0x800, $0x38;
	[tilespmem:$0x9000] =	vst v63  }
0x15: {  	_ =	swait.ge [sflag:s22], $0x800  }
0x16: {  	[sflag:s22] =	ssyncset.done $0x0  }
0x17: {  	s2 =	simm.s32 $0x1000;
	[sflag:s22] =	ssyncadd.s32 $0xFFFFF800  }
0x18: {  	[tilespmem:s2], [sflag:$0x1] =	stream.linear.gather [hbm4b:s5+s1], $0x800, $0x38;
	[tilespmem:$0x9000] =	vst v63  }
0x19: {  	_ =	swait.ge [sflag:s22], $0x800  }
0x1a: {  	[sflag:s22] =	ssyncset.done $0x0  }
0x1b: {  	s30 =	simm.s32 $0x1800;
	[sflag:s22] =	ssyncadd.s32 $0xFFFFF800  }
0x1c: {  	[tilespmem:s30], [sflag:$0x1] =	stream.linear.gather [hbm4b:s6+s1], $0x800, $0x38;
	[tilespmem:$0x9000] =	vst v63  }
0x1d: {  	_ =	swait.ge [sflag:s22], $0x800  }
0x1e: {  	[sflag:s22] =	ssyncset.done $0x0  }
0x1f: {  	s23 =	simm.s32 $0x2000;
	[sflag:s22] =	ssyncadd.s32 $0xFFFFF800  }
0x20: {  	[tilespmem:s23], [sflag:$0x1] =	stream.linear.gather [hbm4b:s7+s1], $0x800, $0x38;
	[tilespmem:$0x9000] =	vst v63  }
0x21: {  	_ =	swait.ge [sflag:s22], $0x800  }
0x22: {  	[sflag:s22] =	ssyncset.done $0x0  }
0x23: {  	s24 =	simm.s32 $0x2800;
	[sflag:s22] =	ssyncadd.s32 $0xFFFFF800  }
0x24: {  	[tilespmem:s24], [sflag:$0x1] =	stream.linear.gather [hbm4b:s8+s1], $0x800, $0x38;
	[tilespmem:$0x9000] =	vst v63  }
0x25: {  	_ =	swait.ge [sflag:s22], $0x800  }
0x26: {  	[sflag:s22] =	ssyncset.done $0x0  }
0x27: {  	s2 =	simm.s32 $0x3000;
	[sflag:s22] =	ssyncadd.s32 $0xFFFFF800  }
0x28: {  	[tilespmem:s2], [sflag:$0x1] =	stream.linear.gather [hbm4b:s9+s1], $0x800, $0x38;
	[tilespmem:$0x9000] =	vst v63  }
0x29: {  	_ =	swait.ge [sflag:s22], $0x800  }
0x2a: {  	[sflag:s22] =	ssyncset.done $0x0  }
0x2b: {  	s23 =	simm.s32 $0x3800;
	[sflag:s22] =	ssyncadd.s32 $0xFFFFF800  }
0x2c: {  	[tilespmem:s23], [sflag:$0x1] =	stream.linear.gather [hbm4b:s10+s1], $0x800, $0x38;
	[tilespmem:$0x9000] =	vst v63  }
0x2d: {  	_ =	swait.ge [sflag:s22], $0x800  }
0x2e: {  	[sflag:s22] =	ssyncset.done $0x0  }
0x2f: {  	s24 =	simm.s32 $0x4000;
	[sflag:s22] =	ssyncadd.s32 $0xFFFFF800  }
0x30: {  	[tilespmem:s24], [sflag:$0x1] =	stream.linear.gather [hbm4b:s11+s1], $0x800, $0x38;
	[tilespmem:$0x9000] =	vst v63  }
0x31: {  	_ =	swait.ge [sflag:s22], $0x800  }
0x32: {  	[sflag:s22] =	ssyncset.done $0x0  }
0x33: {  	s31 =	simm.s32 $0x4800;
	[sflag:s22] =	ssyncadd.s32 $0xFFFFF800  }
0x34: {  	[tilespmem:s31], [sflag:$0x1] =	stream.linear.gather [hbm4b:s12+s1], $0x800, $0x38;
	[tilespmem:$0x9000] =	vst v63  }
0x35: {  	_ =	swait.ge [sflag:s22], $0x800  }
0x36: {  	[sflag:s22] =	ssyncset.done $0x0  }
0x37: {  	s2 =	simm.s32 $0x5000;
	[sflag:s22] =	ssyncadd.s32 $0xFFFFF800  }
0x38: {  	[tilespmem:s2], [sflag:$0x1] =	stream.linear.gather [hbm4b:s13+s1], $0x800, $0x38;
	[tilespmem:$0x9000] =	vst v63  }
0x39: {  	_ =	swait.ge [sflag:s22], $0x800  }
0x3a: {  	[sflag:s22] =	ssyncset.done $0x0  }
0x3b: {  	s23 =	simm.s32 $0x5800;
	[sflag:s22] =	ssyncadd.s32 $0xFFFFF800  }
0x3c: {  	[tilespmem:s23], [sflag:$0x1] =	stream.linear.gather [hbm4b:s14+s1], $0x800, $0x38;
	[tilespmem:$0x9000] =	vst v63  }
0x3d: {  	_ =	swait.ge [sflag:s22], $0x800  }
0x3e: {  	[sflag:s22] =	ssyncset.done $0x0  }
0x3f: {  	s24 =	simm.s32 $0x6000;
	[sflag:s22] =	ssyncadd.s32 $0xFFFFF800  }
0x40: {  	[tilespmem:s24], [sflag:$0x1] =	stream.linear.gather [hbm4b:s15+s1], $0x800, $0x38;
	[tilespmem:$0x9000] =	vst v63  }
0x41: {  	_ =	swait.ge [sflag:s22], $0x800  }
0x42: {  	[sflag:s22] =	ssyncset.done $0x0  }
0x43: {  	s2 =	simm.s32 $0x6800;
	[sflag:s22] =	ssyncadd.s32 $0xFFFFF800  }
0x44: {  	[tilespmem:s2], [sflag:$0x1] =	stream.linear.gather [hbm4b:s16+s1], $0x800, $0x38;
	[tilespmem:$0x9000] =	vst v63  }
0x45: {  	_ =	swait.ge [sflag:s22], $0x800  }
0x46: {  	[sflag:s22] =	ssyncset.done $0x0  }
0x47: {  	s23 =	simm.s32 $0x7000;
	[sflag:s22] =	ssyncadd.s32 $0xFFFFF800  }
0x48: {  	[tilespmem:s23], [sflag:$0x1] =	stream.linear.gather [hbm4b:s17+s1], $0x800, $0x38;
	[tilespmem:$0x9000] =	vst v63  }
0x49: {  	_ =	swait.ge [sflag:s22], $0x800  }
0x4a: {  	[sflag:s22] =	ssyncset.done $0x0  }
0x4b: {  	[sflag:s22] =	ssyncadd.s32 $0xFFFFF800  }
0x4c: {  	v0 =	vld [tilespmem:s30+$0xFFFFF800]  }
0x4d: {  	v1 =	vld [tilespmem:s30+$0x1000]  }
0x4e: {  	v2 =	vld [tilespmem:s30+$0x0]  }
0x4f: {  	v3 =	vld [tilespmem:s30+$0xFFFFF000]  }
0x50: {  	v4 =	vld [tilespmem:s30+$0x800]  }
0x51: {  	v5 =	vld [tilespmem:s30+$0xFFFFE800]  }
0x52: {  	v6 =	vld [tilespmem:s31+$0x0]  }
0x53: {  	v7 =	vld [tilespmem:s31+$0xFFFFE800]  }
0x54: {  	s24 =	sand.u32 $0x7F0, s1  }
0x55: {  	v8 =	vld [tilespmem:s24+$0x6000]  }
0x56: {  	v3 =	vadd.f32 v4, v3;
	v2 =	vadd.f32 v2, v5;
	_ =	sdelay $0x1  }
0x57: {  	v0 =	vadd.f32 v1, v0;
	v1 =	vmul.f32 v6, v3;
	v57 =	vmul.f32 v7, v2;
	_ =	sdelay $0x1  }
0x58: {  	v58 =	vmul.f32 v8, v0;
	v1 =	vadd.f32 v1, v57;
	_ =	sdelay $0x1  }
0x59: {  	v1 =	vadd.f32 v58, v1;
	_ =	sdelay $0x1  }
0x5a: {  	[tilespmem:s26+$0xFFFFF800] =	vst v1  }
0x5b: {  	v1 =	vld [tilespmem:s31+$0xFFFFF000]  }
0x5c: {  	v59 =	vld [tilespmem:s31+$0x800];
	_ =	sdelay $0x1  }
0x5d: {  	v60 =	vld [tilespmem:s24+$0x6800];
	_ =	sdelay $0x2  }
0x5e: {  	v1 =	vmul.f32 v1, v2;
	v4 =	vmul.f32 v59, v3;
	_ =	sdelay $0x1  }
0x5f: {  	v61 =	vmul.f32 v60, v0;
	v1 =	vadd.f32 v4, v1;
	_ =	sdelay $0x1  }
0x60: {  	v1 =	vadd.f32 v61, v1;
	_ =	sdelay $0x1  }
0x61: {  	[tilespmem:s26+$0x0] =	vst v1  }
0x62: {  	v1 =	vld [tilespmem:s31+$0xFFFFF800]  }
0x63: {  	v62 =	vld [tilespmem:s31+$0x1000];
	_ =	sdelay $0x1  }
0x64: {  	v63 =	vld [tilespmem:s24+$0x7000];
	_ =	sdelay $0x2  }
0x65: {  	v1 =	vmul.f32 v1, v2;
	v2 =	vmul.f32 v62, v3;
	_ =	sdelay $0x1  }
0x66: {  	s0 =	simm.s32 $0x10;
	s2 =	simm.s32 $0x8000;
	s23 =	simm.s32 $0x8000;
	v0 =	vmul.f32 v63, v0;
	v1 =	vadd.f32 v2, v1  }
.LBB2_2:
0x67: {  	s30 =	sadd.s32 $0x10, s30;
	s31 =	sadd.s32 $0x10, s31;
	s23 =	sadd.s32 $0x10, s23  }
0x68: {  	p0 =	sne.s32 s0, $0x7F0;
	s24 =	smov.u32 s0;
	s0 =	sadd.s32 $0x10, s0;
	v0 =	vadd.f32 v0, v1  }
0x69: {  	_ = 	snop  }
0x6a: {  	[tilespmem:s2+$0x800] =	vst v0;
	s2 =	smov.u32 s23  }
0x6b: {  	v0 =	vld [tilespmem:s30+$0xFFFFF800]  }
0x6c: {  	v1 =	vld [tilespmem:s30+$0x1000]  }
0x6d: {  	v2 =	vld [tilespmem:s30+$0x0]  }
0x6e: {  	v3 =	vld [tilespmem:s30+$0xFFFFF000]  }
0x6f: {  	v4 =	vld [tilespmem:s30+$0x800]  }
0x70: {  	v5 =	vld [tilespmem:s30+$0xFFFFE800]  }
0x71: {  	v6 =	vld [tilespmem:s31+$0x0]  }
0x72: {  	v7 =	vld [tilespmem:s31+$0xFFFFE800]  }
0x73: {  	s24 =	sand.u32 $0x7F0, s24  }
0x74: {  	v3 =	vadd.f32 v4, v3;
	v4 =	vld [tilespmem:s24+$0x6000]  }
0x75: {  	v2 =	vadd.f32 v2, v5  }
0x76: {  	v0 =	vadd.f32 v1, v0;
	v1 =	vmul.f32 v6, v3  }
0x77: {  	v5 =	vmul.f32 v7, v2;
	_ =	sdelay $0x1  }
0x78: {  	v1 =	vadd.f32 v1, v5;
	v4 =	vmul.f32 v4, v0;
	_ =	sdelay $0x1  }
0x79: {  	v1 =	vadd.f32 v4, v1;
	_ =	sdelay $0x1  }
0x7a: {  	[tilespmem:s23+$0xFFFFF800] =	vst v1  }
0x7b: {  	v1 =	vld [tilespmem:s31+$0xFFFFF000]  }
0x7c: {  	v4 =	vld [tilespmem:s31+$0x800];
	_ =	sdelay $0x1  }
0x7d: {  	v5 =	vld [tilespmem:s24+$0x6800];
	_ =	sdelay $0x1  }
0x7e: {  	v1 =	vmul.f32 v1, v2  }
0x7f: {  	v4 =	vmul.f32 v4, v3;
	_ =	sdelay $0x1  }
0x80: {  	v1 =	vadd.f32 v4, v1;
	v4 =	vmul.f32 v5, v0;
	_ =	sdelay $0x1  }
0x81: {  	v1 =	vadd.f32 v4, v1;
	_ =	sdelay $0x1  }
0x82: {  	[tilespmem:s23+$0x0] =	vst v1  }
0x83: {  	v1 =	vld [tilespmem:s31+$0xFFFFF800]  }
0x84: {  	v4 =	vld [tilespmem:s31+$0x1000]  }
0x85: {  	v5 =	vld [tilespmem:s24+$0x7000];
	_ =	sdelay $0x1  }
.Ltmp0:
0x86: {  	(pc) =	sbr.rel @p0 .LBB2_2-.Ltmp0, $4  }
0x87: {  	v1 =	vmul.f32 v1, v2  }
0x88: {  	v2 =	vmul.f32 v4, v3  }
0x89: {  	v0 =	vmul.f32 v5, v0  }
0x8a: {  	v1 =	vadd.f32 v2, v1  }
0x8b: {  	_ = 	snop  }
0x8c: {  	v0 =	vadd.f32 v0, v1;
	_ =	sdelay $0x1  }
0x8d: {  	[tilespmem:s2+$0x800] =	vst v0  }
0x8e: {  	[hbm4b:s18+s1] =	stream.linear.scatter [tilespmem:s25], [sflag:$0x1], $0x800, $0x38;
	[tilespmem:$0x9000] =	vst v63  }
0x8f: {  	_ =	swait.ge [sflag:s22], $0x800  }
0x90: {  	[sflag:s22] =	ssyncset.done $0x0  }
0x91: {  	[sflag:s22] =	ssyncadd.s32 $0xFFFFF800  }
0x92: {  	[hbm4b:s19+s1] =	stream.linear.scatter [tilespmem:s26], [sflag:$0x1], $0x800, $0x38;
	[tilespmem:$0x9000] =	vst v63  }
0x93: {  	s29 =	sadd.s32 $0x1, s29;
	_ =	swait.ge [sflag:s22], $0x800  }
0x94: {  	p0 =	sne.s32 s29, s21;
	[sflag:s22] =	ssyncset.done $0x0  }
.Ltmp1:
0x95: {  	[sflag:s22] =	ssyncadd.s32 $0xFFFFF800;
	(pc) =	sbr.rel @p0 .LBB2_1-.Ltmp1, $4  }
0x96: {  	[hbm4b:s20+s1] =	stream.linear.scatter [tilespmem:s28], [sflag:$0x1], $0x800, $0x38;
	[tilespmem:$0x9000] =	vst v63  }
0x97: {  	_ =	swait.ge [sflag:s22], $0x800  }
0x98: {  	[sflag:s22] =	ssyncset.done $0x0  }
0x99: {  	[sflag:s22] =	ssyncadd.s32 $0xFFFFF800  }
0x9a: {  	_ =	sfence.sel $0x180000  }
0x9b: {  	[bflag:$0x0] =	sbarrier.arrive $0xFFFF  }
0x9c: {  	_ =	strace $0x9000004A  }
0x9d: {  	s0 =	stileid.u32;
	[bflag:$0x2] =	sbarrier.arrive $0xFFFF  }
0x9e: {  	p0 =	sne.s32 s0, $0x0;
	s0 =	rddreg [dreg:$0x1]  }
0x9f: {  	s0 =	sadd.s32 @!p0 $0x100000, s0  }
0xa0: {  	[sflag:s0] =	ssyncadd.tile.s32 @!p0 $0x1;
	_ =	shalt  }
.Lfunc_end2:
_tile_overlayer_lowered:
.L_overlay_start_2:
0xa1: {  	(tag) =	ssettag $0x2  }
0xa2: {  	s0 =	rddreg [dreg:$0x0];
	s2 =	stileid.u32  }
0xa3: {  	s1 =	rddreg [dreg:$0x1];
	p0 =	sne.s32 s2, $0x0  }
0xa4: {  	s3 =	rddreg [dreg:$0x2];
	[bflag:$0x3] =	sbarrier.arrive $0xFFFF;
	s2 =	simm.s32 @!p0 $0x1C01  }
0xa5: {  	[timem:s3], [sflag:s2] =	dma.local @!p0 [hbm:s0], s1  }
0xa6: {  	s0 =	simm.s32 @!p0 $0x1  }
0xa7: {  	_ =	swait.ge @!p0 [sflag:s0], s1  }
0xa8: {  	s1 =	ssub.s32 @!p0 $0x0, s1;
	[sflag:s0] =	ssyncset.done @!p0 $0x0  }
0xa9: {  	[sflag:s0] =	ssyncadd.s32 @!p0 s1  }
0xaa: {  	[bflag:$0x3] =	sbarrier.arrive $0xFFFF  }
0xab: {  	_ =	shalt  }

</sc_bundles>
